<compile_context>
chip_gen: v7x
topology: tpu7x:2x2x1
jax: 0.10.2.dev20260603
libtpu: 0.0.44.dev20260713+nightly
codegen_flags: <defaults>
</compile_context>

<pallas_src>
import functools

import jax
import jax.numpy as jnp
from jax import lax
from jax.experimental import pallas as pl
from jax.experimental.pallas import tpu as pltpu
from jax.experimental.pallas import tpu_sc as plsc

N = 10000
H = 128
E = 320000
NUM_CORES = 2
NUM_SUBCORES = 16
NUM_TILES = NUM_CORES * NUM_SUBCORES
BLK = 128
NBLKS = E // BLK
NB_BASE = NBLKS // NUM_TILES
NB_EXTRA = NBLKS - NB_BASE * NUM_TILES
NB_MAX = NB_BASE + 1
E_TILE = NB_MAX * BLK
E_BASE = NB_BASE * BLK
NB_A = 40

N_PAD = 10240
COL_BLK = N_PAD // 8
INIT_CHUNK = N_PAD // NUM_SUBCORES


def _node_scores_tc(h, w_edge, w_node, b_edge, b_node):

    def body(h_ref, we_ref, wn_ref, be_ref, bn_ref, o_ref):
        w3 = jnp.concatenate(
            [we_ref[...].reshape(2, H), wn_ref[...].reshape(1, H)], axis=0)
        s = lax.dot_general(
            w3, h_ref[...], (((1,), (1,)), ((), ())),
            preferred_element_type=jnp.float32)
        row = lax.broadcasted_iota(jnp.int32, (3, 1), 0)
        b3 = jnp.where(row == 1, be_ref[0, 0], 0.0) + jnp.where(
            row == 2, bn_ref[0, 0], 0.0)
        o_ref[0:3, :] = s + b3
        o_ref[3:4, :] = jnp.zeros((1, N), jnp.float32)

    return pl.pallas_call(
        body,
        in_specs=[
            pl.BlockSpec((N, H), lambda: (0, 0)),
            pl.BlockSpec((2 * H,), lambda: (0,)),
            pl.BlockSpec((H,), lambda: (0,)),
            pl.BlockSpec(memory_space=pltpu.SMEM),
            pl.BlockSpec(memory_space=pltpu.SMEM),
        ],
        out_specs=pl.BlockSpec((4, N), lambda: (0, 0)),
        out_shape=jax.ShapeDtypeStruct((4, N), jnp.float32),
    )(h, w_edge, w_node,
      b_edge.reshape(1, 1).astype(jnp.float32),
      b_node.reshape(1, 1).astype(jnp.float32))


def _edge_accumulate_sc(s4n, ei):
    mesh = plsc.VectorSubcoreMesh(
        core_axis_name="c", subcore_axis_name="s", num_cores=NUM_CORES)

    @functools.partial(
        pl.kernel,
        out_type=jax.ShapeDtypeStruct((NUM_CORES, N), jnp.float32),
        mesh=mesh,
        compiler_params=pltpu.CompilerParams(needs_layout_passes=False),
        scratch_types=[
            pltpu.VMEM((2, E_TILE), jnp.int32),
            pltpu.VMEM((E_TILE,), jnp.int32),
            pltpu.VMEM((E_TILE,), jnp.float32),
            pltpu.VMEM((N,), jnp.float32),
            pltpu.VMEM((N,), jnp.float32),
            pltpu.VMEM_SHARED((N,), jnp.float32),
            pltpu.SemaphoreType.DMA,
            pltpu.SemaphoreType.DMA,
        ],
    )
    def k(s_hbm, ei_hbm, out_hbm,
          ei_v, dst_v, vals_v, s1_v, s2_v, acc_sh, sem, sem2):
        c = lax.axis_index("c")
        s = lax.axis_index("s")
        wid = c * NUM_SUBCORES + s
        has_extra = wid < NB_EXTRA
        base = (wid * NB_BASE + jnp.minimum(wid, NB_EXTRA)) * BLK

        cp_ei = pltpu.async_copy(ei_hbm.at[:, pl.ds(base, E_BASE)],
                                 ei_v.at[:, pl.ds(0, E_BASE)], sem)
        cp_s1 = pltpu.async_copy(s_hbm.at[0], s1_v, sem)
        cp_s2 = pltpu.async_copy(s_hbm.at[1], s2_v, sem)

        @pl.when(has_extra)
        def _():
            pltpu.sync_copy(ei_hbm.at[:, pl.ds(base + E_BASE, BLK)],
                            ei_v.at[:, pl.ds(E_BASE, BLK)])

        @pl.when(jnp.logical_not(has_extra))
        def _():
            for u in range(BLK // 16):
                idx = u * 16 + lax.iota(jnp.int32, 16)
                ei_v[0, pl.ds(E_BASE + u * 16, 16)] = idx
                ei_v[1, pl.ds(E_BASE + u * 16, 16)] = idx

        @pl.when(s == 0)
        def _():
            pltpu.sync_copy(s_hbm.at[3], acc_sh)

        cp_ei.wait()
        cp_s1.wait()
        cp_s2.wait()
        plsc.subcore_barrier()

        def chunk(i, carry):
            b0 = i * BLK
            for u in range(BLK // 16):
                o = b0 + u * 16
                si = ei_v[0, pl.ds(o, 16)]
                di = ei_v[1, pl.ds(o, 16)]
                g = (plsc.load_gather(s1_v, [si])
                     + plsc.load_gather(s2_v, [di]))
                vals_v[pl.ds(o, 16)] = g
                dst_v[pl.ds(o, 16)] = di
            return carry

        pending = []
        bounds = [0, 20, 40, 60, NB_MAX]
        for b_lo, b_hi in zip(bounds[:-1], bounds[1:]):
            lax.fori_loop(b_lo, b_hi, chunk, 0)
            if b_hi == NB_MAX:
                @pl.when(jnp.logical_not(has_extra))
                def _():
                    zero = jnp.zeros((16,), jnp.float32)
                    for u in range(BLK // 16):
                        vals_v[pl.ds(E_BASE + u * 16, 16)] = zero
            o, sz = b_lo * BLK, (b_hi - b_lo) * BLK
            pending.append(pltpu.async_copy(
                vals_v.at[pl.ds(o, sz)],
                acc_sh.at[dst_v.at[pl.ds(o, sz)]], sem2, add=True))
        for cp in pending:
            cp.wait()
        plsc.subcore_barrier()

        @pl.when(s == 0)
        def _():
            pltpu.sync_copy(acc_sh, out_hbm.at[c])

    return k(s4n, ei)


def _combine_softmax_tc(parts, s4n):

    def body(p_ref, s_ref, o_ref):
        combined = p_ref[0:1, 0:N] + s_ref[2:3, 0:N]
        if NUM_CORES > 1:
            combined = combined + p_ref[1:2, 0:N]
        m = jnp.max(combined)
        e = jnp.exp(combined - m)
        o_ref[...] = e / jnp.sum(e)

    return pl.pallas_call(
        body,
        out_shape=jax.ShapeDtypeStruct((1, N), jnp.float32),
    )(parts, s4n)


def kernel(h, edge_index, W_edge, b_edge, W_node, b_node):
    h = h.astype(jnp.float32)
    ei = edge_index.astype(jnp.int32)

    s4n = _node_scores_tc(h, W_edge, W_node, b_edge, b_node)
    parts = _edge_accumulate_sc(s4n, ei)
    out = _combine_softmax_tc(parts, s4n)
    return out.reshape(N)

# --- scband reference (transcript-rebuilt; emitter-appended) ---
"""Pipeline reference for scband-root-cause-attention-18399639896424 (READ-ONLY COPY).

The authoritative reference and input builder live on the scoring server;
editing this copy changes nothing except your own understanding.
"""

import jax, jax.numpy as jnp
import numpy as np

N = 10000
E = 320000
H = 128

def setup_inputs(seed: int = 0) -> dict:
    key = jax.random.key(seed)
    k1, k2, k3, k4, k5, k6 = jax.random.split(key, 6)
    h = jax.random.normal(k1, (N, H), dtype=jnp.float32)
    edge_index = jax.random.randint(k2, (2, E), 0, N, dtype=jnp.int64)
    # edge_scorer: Linear(2H -> 1); node_scorer: Linear(H -> 1)
    bound_e = 1.0 / np.sqrt(2 * H)
    bound_n = 1.0 / np.sqrt(H)
    W_edge = jax.random.uniform(k3, (2 * H,), dtype=jnp.float32, minval=-bound_e, maxval=bound_e)
    b_edge = jax.random.uniform(k4, (), dtype=jnp.float32, minval=-bound_e, maxval=bound_e)
    W_node = jax.random.uniform(k5, (H,), dtype=jnp.float32, minval=-bound_n, maxval=bound_n)
    b_node = jax.random.uniform(k6, (), dtype=jnp.float32, minval=-bound_n, maxval=bound_n)
    return {"h": h, "edge_index": edge_index, "W_edge": W_edge, "b_edge": b_edge, "W_node": W_node, "b_node": b_node}

def reference(h, edge_index, W_edge, b_edge, W_node, b_node):
    n = h.shape[0]
    src = edge_index[0]
    dst = edge_index[1]
    edge_feats = jnp.concatenate([h[src], h[dst]], axis=-1)  # (E, 2H)
    edge_scores = edge_feats @ W_edge + b_edge               # (E,)
    node_edge_score = jnp.zeros((n,), dtype=h.dtype).at[dst].add(edge_scores)
    node_self_score = h @ W_node + b_node                    # (N,)
    combined = node_edge_score + node_self_score
    return jax.nn.softmax(combined, axis=0)

if __name__ == "__main__":
    import jax
    _d = setup_inputs()
    print(jax.jit(kernel)(*tuple(_d.values())))

</pallas_src>

<mosaic_0001>
#map = affine_map<(d0, d1) -> (0, 0)>
module attributes {stable_mosaic.version = 14 : i64} {
  func.func @k(%arg0: i32, %arg1: i32, %arg2: memref<4x10000xf32, #tpu.memory_space<hbm>>, %arg3: memref<2x320000xi32, #tpu.memory_space<hbm>>, %arg4: memref<2x10000xf32, #tpu.memory_space<hbm>>, %arg5: memref<2x10112xi32, #tpu.memory_space<vmem>>, %arg6: memref<10112xi32, #tpu.memory_space<vmem>>, %arg7: memref<10112xf32, #tpu.memory_space<vmem>>, %arg8: memref<10000xf32, #tpu.memory_space<vmem>>, %arg9: memref<10000xf32, #tpu.memory_space<vmem>>, %arg10: memref<10000xf32, #tpu.memory_space<vmem_shared>>, %arg11: memref<!tpu.dma_semaphore, #tpu.memory_space<semaphore_mem>>, %arg12: memref<!tpu.dma_semaphore, #tpu.memory_space<semaphore_mem>>) attributes {dimension_semantics = [#tpu.dimension_semantics<core_parallel>, #tpu.dimension_semantics<subcore_parallel>], iteration_bounds = array<i64: 2, 16>, scalar_prefetch = 0 : i64, scratch_operands = 8 : i64, tpu.core_type = #tpu.core_type<sc_vector_subcore>, window_params = [{transform_indices = #map}, {transform_indices = #map}, {transform_indices = #map}]} {
    %mul3A = arith.constant 16 : i32
    %mul3A_0 = arith.muli %arg0, %mul3A : i32
    %add3A = arith.addi %mul3A_0, %arg1 : i32
    %lt3A = arith.constant 4 : i32
    %lt3A_1 = arith.cmpi slt, %add3A, %lt3A : i32
    %mul3A_2 = arith.constant 78 : i32
    %mul3A_3 = arith.muli %add3A, %mul3A_2 : i32
    %min3A = arith.constant 4 : i32
    %min3A_4 = arith.minsi %add3A, %min3A : i32
    %add3A_5 = arith.addi %mul3A_3, %min3A_4 : i32
    %mul3A_6 = arith.constant 128 : i32
    %mul3A_7 = arith.muli %add3A_5, %mul3A_6 : i32
    %dma_start3A = arith.constant 0 : i32
    %dma_start3A_8 = arith.constant 0 : i32
    %dma_start3A_9 = tpu.memref_slice %arg5[%dma_start3A, %dma_start3A_8] : memref<2x10112xi32, #tpu.memory_space<vmem>> -> memref<2x9984xi32, #tpu.memory_space<vmem>>
    %dma_start3A_10 = arith.constant 0 : i32
    %dma_start3A_11 = tpu.memref_slice %arg3[%dma_start3A_10, %mul3A_7] : memref<2x320000xi32, #tpu.memory_space<hbm>> -> memref<2x9984xi32, #tpu.memory_space<hbm>>
    %dma_start3A_12 = arith.constant 0 : i32
    %dma_start3A_13 = arith.constant 0 : i32
    %dma_start3A_14 = tpu.memref_slice %arg5[%dma_start3A_12, %dma_start3A_13] : memref<2x10112xi32, #tpu.memory_space<vmem>> -> memref<2x9984xi32, #tpu.memory_space<vmem>>
    %dma_start3A_15 = arith.constant 0 : i32
    %dma_start3A_16 = tpu.memref_slice %arg3[%dma_start3A_15, %mul3A_7] : memref<2x320000xi32, #tpu.memory_space<hbm>> -> memref<2x9984xi32, #tpu.memory_space<hbm>>
    tpu.enqueue_dma source(%dma_start3A_16 : memref<2x9984xi32, #tpu.memory_space<hbm>>) target(%dma_start3A_14 : memref<2x9984xi32, #tpu.memory_space<vmem>>) target_semaphore(%arg11 : memref<!tpu.dma_semaphore, #tpu.memory_space<semaphore_mem>>)
    %dma_start3A_17 = arith.constant 0 : i32
    %dma_start3A_18 = arith.constant 0 : i32
    %dma_start3A_19 = tpu.memref_slice %arg2[%dma_start3A_17, %dma_start3A_18] : memref<4x10000xf32, #tpu.memory_space<hbm>> -> memref<1x10000xf32, #tpu.memory_space<hbm>>
    %dma_start3A_20 = tpu.memref_squeeze %dma_start3A_19 : memref<1x10000xf32, #tpu.memory_space<hbm>> -> memref<10000xf32, #tpu.memory_space<hbm>>
    %dma_start3A_21 = arith.constant 0 : i32
    %dma_start3A_22 = tpu.memref_slice %arg2[%dma_start3A_17, %dma_start3A_21] : memref<4x10000xf32, #tpu.memory_space<hbm>> -> memref<1x10000xf32, #tpu.memory_space<hbm>>
    %dma_start3A_23 = tpu.memref_squeeze %dma_start3A_22 : memref<1x10000xf32, #tpu.memory_space<hbm>> -> memref<10000xf32, #tpu.memory_space<hbm>>
    tpu.enqueue_dma source(%dma_start3A_23 : memref<10000xf32, #tpu.memory_space<hbm>>) target(%arg8 : memref<10000xf32, #tpu.memory_space<vmem>>) target_semaphore(%arg11 : memref<!tpu.dma_semaphore, #tpu.memory_space<semaphore_mem>>)
    %dma_start3A_24 = arith.constant 1 : i32
    %dma_start3A_25 = arith.constant 0 : i32
    %dma_start3A_26 = tpu.memref_slice %arg2[%dma_start3A_24, %dma_start3A_25] : memref<4x10000xf32, #tpu.memory_space<hbm>> -> memref<1x10000xf32, #tpu.memory_space<hbm>>
    %dma_start3A_27 = tpu.memref_squeeze %dma_start3A_26 : memref<1x10000xf32, #tpu.memory_space<hbm>> -> memref<10000xf32, #tpu.memory_space<hbm>>
    %dma_start3A_28 = arith.constant 0 : i32
    %dma_start3A_29 = tpu.memref_slice %arg2[%dma_start3A_24, %dma_start3A_28] : memref<4x10000xf32, #tpu.memory_space<hbm>> -> memref<1x10000xf32, #tpu.memory_space<hbm>>
    %dma_start3A_30 = tpu.memref_squeeze %dma_start3A_29 : memref<1x10000xf32, #tpu.memory_space<hbm>> -> memref<10000xf32, #tpu.memory_space<hbm>>
    tpu.enqueue_dma source(%dma_start3A_30 : memref<10000xf32, #tpu.memory_space<hbm>>) target(%arg9 : memref<10000xf32, #tpu.memory_space<vmem>>) target_semaphore(%arg11 : memref<!tpu.dma_semaphore, #tpu.memory_space<semaphore_mem>>)
    %convert_element_type3A = arith.extui %lt3A_1 : i1 to i32
    %cond3A = arith.constant 0 : i32
    %cond3A_31 = arith.cmpi ne, %convert_element_type3A, %cond3A : i32
    scf.if %cond3A_31 {
      %add3A_145 = arith.constant 9984 : i32
      %add3A_146 = arith.addi %mul3A_7, %add3A_145 : i32
      "tpu.region"() ({
        %run_scoped3A = tpu.sem_alloc : memref<!tpu.dma_semaphore, #tpu.memory_space<semaphore_mem>>
        %dma_start3A_147 = arith.constant 0 : i32
        %dma_start3A_148 = arith.constant 9984 : i32
        %dma_start3A_149 = tpu.memref_slice %arg5[%dma_start3A_147, %dma_start3A_148] : memref<2x10112xi32, #tpu.memory_space<vmem>> -> memref<2x128xi32, #tpu.memory_space<vmem>>
        %dma_start3A_150 = arith.constant 0 : i32
        %dma_start3A_151 = tpu.memref_slice %arg3[%dma_start3A_150, %add3A_146] : memref<2x320000xi32, #tpu.memory_space<hbm>> -> memref<2x128xi32, #tpu.memory_space<hbm>>
        %dma_start3A_152 = arith.constant 0 : i32
        %dma_start3A_153 = arith.constant 9984 : i32
        %dma_start3A_154 = tpu.memref_slice %arg5[%dma_start3A_152, %dma_start3A_153] : memref<2x10112xi32, #tpu.memory_space<vmem>> -> memref<2x128xi32, #tpu.memory_space<vmem>>
        %dma_start3A_155 = arith.constant 0 : i32
        %dma_start3A_156 = tpu.memref_slice %arg3[%dma_start3A_155, %add3A_146] : memref<2x320000xi32, #tpu.memory_space<hbm>> -> memref<2x128xi32, #tpu.memory_space<hbm>>
        tpu.enqueue_dma source(%dma_start3A_156 : memref<2x128xi32, #tpu.memory_space<hbm>>) target(%dma_start3A_154 : memref<2x128xi32, #tpu.memory_space<vmem>>) target_semaphore(%run_scoped3A : memref<!tpu.dma_semaphore, #tpu.memory_space<semaphore_mem>>)
        %dma_wait3A_157 = arith.constant 0 : i32
        %dma_wait3A_158 = arith.constant 9984 : i32
        %dma_wait3A_159 = tpu.memref_slice %arg5[%dma_wait3A_157, %dma_wait3A_158] : memref<2x10112xi32, #tpu.memory_space<vmem>> -> memref<2x128xi32, #tpu.memory_space<vmem>>
        %dma_wait3A_160 = arith.constant 0 : i32
        %dma_wait3A_161 = tpu.memref_slice %arg3[%dma_wait3A_160, %add3A_146] : memref<2x320000xi32, #tpu.memory_space<hbm>> -> memref<2x128xi32, #tpu.memory_space<hbm>>
        %dma_wait3A_162 = arith.constant 0 : i32
        %dma_wait3A_163 = arith.constant 9984 : i32
        %dma_wait3A_164 = tpu.memref_slice %arg5[%dma_wait3A_162, %dma_wait3A_163] : memref<2x10112xi32, #tpu.memory_space<vmem>> -> memref<2x128xi32, #tpu.memory_space<vmem>>
        %dma_wait3A_165 = arith.constant 0 : i32
        %dma_wait3A_166 = tpu.memref_slice %arg3[%dma_wait3A_165, %add3A_146] : memref<2x320000xi32, #tpu.memory_space<hbm>> -> memref<2x128xi32, #tpu.memory_space<hbm>>
        tpu.wait_dma2 semaphore(%run_scoped3A : memref<!tpu.dma_semaphore, #tpu.memory_space<semaphore_mem>>) src(%dma_wait3A_166 : memref<2x128xi32, #tpu.memory_space<hbm>>) dst(%dma_wait3A_164 : memref<2x128xi32, #tpu.memory_space<vmem>>)
        tpu.yield
      }) : () -> ()
    } else {
    }
    %not3A = arith.constant true
    %not3A_32 = arith.xori %lt3A_1, %not3A : i1
    %convert_element_type3A_33 = arith.extui %not3A_32 : i1 to i32
    %cond3A_34 = arith.constant 0 : i32
    %cond3A_35 = arith.cmpi ne, %convert_element_type3A_33, %cond3A_34 : i32
    scf.if %cond3A_35 {
      %iota3A = tpu.iota {dimensions = array<i32: 0>} : vector<16xi32>
      %add3A_145 = arith.constant 0 : i32
      %add3A_146 = vector.broadcast %add3A_145 : i32 to vector<16xi32>
      %add3A_147 = arith.addi %add3A_146, %iota3A : vector<16xi32>
      %swap3A = arith.constant 0 : i32
      %swap3A_148 = arith.index_cast %swap3A : i32 to index
      %swap3A_149 = arith.constant 9984 : index
      %swap3A_150 = tpu.vector_load %arg5[%swap3A_148, %swap3A_149] {strides = array<i32>} : memref<2x10112xi32, #tpu.memory_space<vmem>>, vector<16xi32>,
      tpu.vector_store %arg5[%swap3A_148, %swap3A_149], %add3A_147 {strides = array<i32>} : memref<2x10112xi32, #tpu.memory_space<vmem>>, vector<16xi32>,
      %swap3A_151 = arith.constant 1 : i32
      %swap3A_152 = arith.index_cast %swap3A_151 : i32 to index
      %swap3A_153 = arith.constant 9984 : index
      %swap3A_154 = tpu.vector_load %arg5[%swap3A_152, %swap3A_153] {strides = array<i32>} : memref<2x10112xi32, #tpu.memory_space<vmem>>, vector<16xi32>,
      tpu.vector_store %arg5[%swap3A_152, %swap3A_153], %add3A_147 {strides = array<i32>} : memref<2x10112xi32, #tpu.memory_space<vmem>>, vector<16xi32>,
      %iota3A_155 = tpu.iota {dimensions = array<i32: 0>} : vector<16xi32>
      %add3A_156 = arith.constant 16 : i32
      %add3A_157 = vector.broadcast %add3A_156 : i32 to vector<16xi32>
      %add3A_158 = arith.addi %add3A_157, %iota3A_155 : vector<16xi32>
      %swap3A_159 = arith.constant 0 : i32
      %swap3A_160 = arith.index_cast %swap3A_159 : i32 to index
      %swap3A_161 = arith.constant 10000 : index
      %swap3A_162 = tpu.vector_load %arg5[%swap3A_160, %swap3A_161] {strides = array<i32>} : memref<2x10112xi32, #tpu.memory_space<vmem>>, vector<16xi32>,
      tpu.vector_store %arg5[%swap3A_160, %swap3A_161], %add3A_158 {strides = array<i32>} : memref<2x10112xi32, #tpu.memory_space<vmem>>, vector<16xi32>,
      %swap3A_163 = arith.constant 1 : i32
      %swap3A_164 = arith.index_cast %swap3A_163 : i32 to index
      %swap3A_165 = arith.constant 10000 : index
      %swap3A_166 = tpu.vector_load %arg5[%swap3A_164, %swap3A_165] {strides = array<i32>} : memref<2x10112xi32, #tpu.memory_space<vmem>>, vector<16xi32>,
      tpu.vector_store %arg5[%swap3A_164, %swap3A_165], %add3A_158 {strides = array<i32>} : memref<2x10112xi32, #tpu.memory_space<vmem>>, vector<16xi32>,
      %iota3A_167 = tpu.iota {dimensions = array<i32: 0>} : vector<16xi32>
      %add3A_168 = arith.constant 32 : i32
      %add3A_169 = vector.broadcast %add3A_168 : i32 to vector<16xi32>
      %add3A_170 = arith.addi %add3A_169, %iota3A_167 : vector<16xi32>
      %swap3A_171 = arith.constant 0 : i32
      %swap3A_172 = arith.index_cast %swap3A_171 : i32 to index
      %swap3A_173 = arith.constant 10016 : index
      %swap3A_174 = tpu.vector_load %arg5[%swap3A_172, %swap3A_173] {strides = array<i32>} : memref<2x10112xi32, #tpu.memory_space<vmem>>, vector<16xi32>,
      tpu.vector_store %arg5[%swap3A_172, %swap3A_173], %add3A_170 {strides = array<i32>} : memref<2x10112xi32, #tpu.memory_space<vmem>>, vector<16xi32>,
      %swap3A_175 = arith.constant 1 : i32
      %swap3A_176 = arith.index_cast %swap3A_175 : i32 to index
      %swap3A_177 = arith.constant 10016 : index
      %swap3A_178 = tpu.vector_load %arg5[%swap3A_176, %swap3A_177] {strides = array<i32>} : memref<2x10112xi32, #tpu.memory_space<vmem>>, vector<16xi32>,
      tpu.vector_store %arg5[%swap3A_176, %swap3A_177], %add3A_170 {strides = array<i32>} : memref<2x10112xi32, #tpu.memory_space<vmem>>, vector<16xi32>,
      %iota3A_179 = tpu.iota {dimensions = array<i32: 0>} : vector<16xi32>
      %add3A_180 = arith.constant 48 : i32
      %add3A_181 = vector.broadcast %add3A_180 : i32 to vector<16xi32>
      %add3A_182 = arith.addi %add3A_181, %iota3A_179 : vector<16xi32>
      %swap3A_183 = arith.constant 0 : i32
      %swap3A_184 = arith.index_cast %swap3A_183 : i32 to index
      %swap3A_185 = arith.constant 10032 : index
      %swap3A_186 = tpu.vector_load %arg5[%swap3A_184, %swap3A_185] {strides = array<i32>} : memref<2x10112xi32, #tpu.memory_space<vmem>>, vector<16xi32>,
      tpu.vector_store %arg5[%swap3A_184, %swap3A_185], %add3A_182 {strides = array<i32>} : memref<2x10112xi32, #tpu.memory_space<vmem>>, vector<16xi32>,
      %swap3A_187 = arith.constant 1 : i32
      %swap3A_188 = arith.index_cast %swap3A_187 : i32 to index
      %swap3A_189 = arith.constant 10032 : index
      %swap3A_190 = tpu.vector_load %arg5[%swap3A_188, %swap3A_189] {strides = array<i32>} : memref<2x10112xi32, #tpu.memory_space<vmem>>, vector<16xi32>,
      tpu.vector_store %arg5[%swap3A_188, %swap3A_189], %add3A_182 {strides = array<i32>} : memref<2x10112xi32, #tpu.memory_space<vmem>>, vector<16xi32>,
      %iota3A_191 = tpu.iota {dimensions = array<i32: 0>} : vector<16xi32>
      %add3A_192 = arith.constant 64 : i32
      %add3A_193 = vector.broadcast %add3A_192 : i32 to vector<16xi32>
      %add3A_194 = arith.addi %add3A_193, %iota3A_191 : vector<16xi32>
      %swap3A_195 = arith.constant 0 : i32
      %swap3A_196 = arith.index_cast %swap3A_195 : i32 to index
      %swap3A_197 = arith.constant 10048 : index
      %swap3A_198 = tpu.vector_load %arg5[%swap3A_196, %swap3A_197] {strides = array<i32>} : memref<2x10112xi32, #tpu.memory_space<vmem>>, vector<16xi32>,
      tpu.vector_store %arg5[%swap3A_196, %swap3A_197], %add3A_194 {strides = array<i32>} : memref<2x10112xi32, #tpu.memory_space<vmem>>, vector<16xi32>,
      %swap3A_199 = arith.constant 1 : i32
      %swap3A_200 = arith.index_cast %swap3A_199 : i32 to index
      %swap3A_201 = arith.constant 10048 : index
      %swap3A_202 = tpu.vector_load %arg5[%swap3A_200, %swap3A_201] {strides = array<i32>} : memref<2x10112xi32, #tpu.memory_space<vmem>>, vector<16xi32>,
      tpu.vector_store %arg5[%swap3A_200, %swap3A_201], %add3A_194 {strides = array<i32>} : memref<2x10112xi32, #tpu.memory_space<vmem>>, vector<16xi32>,
      %iota3A_203 = tpu.iota {dimensions = array<i32: 0>} : vector<16xi32>
      %add3A_204 = arith.constant 80 : i32
      %add3A_205 = vector.broadcast %add3A_204 : i32 to vector<16xi32>
      %add3A_206 = arith.addi %add3A_205, %iota3A_203 : vector<16xi32>
      %swap3A_207 = arith.constant 0 : i32
      %swap3A_208 = arith.index_cast %swap3A_207 : i32 to index
      %swap3A_209 = arith.constant 10064 : index
      %swap3A_210 = tpu.vector_load %arg5[%swap3A_208, %swap3A_209] {strides = array<i32>} : memref<2x10112xi32, #tpu.memory_space<vmem>>, vector<16xi32>,
      tpu.vector_store %arg5[%swap3A_208, %swap3A_209], %add3A_206 {strides = array<i32>} : memref<2x10112xi32, #tpu.memory_space<vmem>>, vector<16xi32>,
      %swap3A_211 = arith.constant 1 : i32
      %swap3A_212 = arith.index_cast %swap3A_211 : i32 to index
      %swap3A_213 = arith.constant 10064 : index
      %swap3A_214 = tpu.vector_load %arg5[%swap3A_212, %swap3A_213] {strides = array<i32>} : memref<2x10112xi32, #tpu.memory_space<vmem>>, vector<16xi32>,
      tpu.vector_store %arg5[%swap3A_212, %swap3A_213], %add3A_206 {strides = array<i32>} : memref<2x10112xi32, #tpu.memory_space<vmem>>, vector<16xi32>,
      %iota3A_215 = tpu.iota {dimensions = array<i32: 0>} : vector<16xi32>
      %add3A_216 = arith.constant 96 : i32
      %add3A_217 = vector.broadcast %add3A_216 : i32 to vector<16xi32>
      %add3A_218 = arith.addi %add3A_217, %iota3A_215 : vector<16xi32>
      %swap3A_219 = arith.constant 0 : i32
      %swap3A_220 = arith.index_cast %swap3A_219 : i32 to index
      %swap3A_221 = arith.constant 10080 : index
      %swap3A_222 = tpu.vector_load %arg5[%swap3A_220, %swap3A_221] {strides = array<i32>} : memref<2x10112xi32, #tpu.memory_space<vmem>>, vector<16xi32>,
      tpu.vector_store %arg5[%swap3A_220, %swap3A_221], %add3A_218 {strides = array<i32>} : memref<2x10112xi32, #tpu.memory_space<vmem>>, vector<16xi32>,
      %swap3A_223 = arith.constant 1 : i32
      %swap3A_224 = arith.index_cast %swap3A_223 : i32 to index
      %swap3A_225 = arith.constant 10080 : index
      %swap3A_226 = tpu.vector_load %arg5[%swap3A_224, %swap3A_225] {strides = array<i32>} : memref<2x10112xi32, #tpu.memory_space<vmem>>, vector<16xi32>,
      tpu.vector_store %arg5[%swap3A_224, %swap3A_225], %add3A_218 {strides = array<i32>} : memref<2x10112xi32, #tpu.memory_space<vmem>>, vector<16xi32>,
      %iota3A_227 = tpu.iota {dimensions = array<i32: 0>} : vector<16xi32>
      %add3A_228 = arith.constant 112 : i32
      %add3A_229 = vector.broadcast %add3A_228 : i32 to vector<16xi32>
      %add3A_230 = arith.addi %add3A_229, %iota3A_227 : vector<16xi32>
      %swap3A_231 = arith.constant 0 : i32
      %swap3A_232 = arith.index_cast %swap3A_231 : i32 to index
      %swap3A_233 = arith.constant 10096 : index
      %swap3A_234 = tpu.vector_load %arg5[%swap3A_232, %swap3A_233] {strides = array<i32>} : memref<2x10112xi32, #tpu.memory_space<vmem>>, vector<16xi32>,
      tpu.vector_store %arg5[%swap3A_232, %swap3A_233], %add3A_230 {strides = array<i32>} : memref<2x10112xi32, #tpu.memory_space<vmem>>, vector<16xi32>,
      %swap3A_235 = arith.constant 1 : i32
      %swap3A_236 = arith.index_cast %swap3A_235 : i32 to index
      %swap3A_237 = arith.constant 10096 : index
      %swap3A_238 = tpu.vector_load %arg5[%swap3A_236, %swap3A_237] {strides = array<i32>} : memref<2x10112xi32, #tpu.memory_space<vmem>>, vector<16xi32>,
      tpu.vector_store %arg5[%swap3A_236, %swap3A_237], %add3A_230 {strides = array<i32>} : memref<2x10112xi32, #tpu.memory_space<vmem>>, vector<16xi32>,
    } else {
    }
    %eq3A = arith.constant 0 : i32
    %eq3A_36 = arith.cmpi eq, %arg1, %eq3A : i32
    %convert_element_type3A_37 = arith.extui %eq3A_36 : i1 to i32
    %cond3A_38 = arith.constant 0 : i32
    %cond3A_39 = arith.cmpi ne, %convert_element_type3A_37, %cond3A_38 : i32
    scf.if %cond3A_39 {
      %run_scoped3A = arith.constant 3 : i32
      "tpu.region"() ({
        %run_scoped3A_145 = tpu.sem_alloc : memref<!tpu.dma_semaphore, #tpu.memory_space<semaphore_mem>>
        %dma_start3A_146 = arith.constant 0 : i32
        %dma_start3A_147 = tpu.memref_slice %arg2[%run_scoped3A, %dma_start3A_146] : memref<4x10000xf32, #tpu.memory_space<hbm>> -> memref<1x10000xf32, #tpu.memory_space<hbm>>
        %dma_start3A_148 = tpu.memref_squeeze %dma_start3A_147 : memref<1x10000xf32, #tpu.memory_space<hbm>> -> memref<10000xf32, #tpu.memory_space<hbm>>
        tpu.enqueue_dma source(%dma_start3A_148 : memref<10000xf32, #tpu.memory_space<hbm>>) target(%arg10 : memref<10000xf32, #tpu.memory_space<vmem_shared>>) target_semaphore(%run_scoped3A_145 : memref<!tpu.dma_semaphore, #tpu.memory_space<semaphore_mem>>)
        %dma_wait3A_149 = arith.constant 0 : i32
        %dma_wait3A_150 = tpu.memref_slice %arg2[%run_scoped3A, %dma_wait3A_149] : memref<4x10000xf32, #tpu.memory_space<hbm>> -> memref<1x10000xf32, #tpu.memory_space<hbm>>
        %dma_wait3A_151 = tpu.memref_squeeze %dma_wait3A_150 : memref<1x10000xf32, #tpu.memory_space<hbm>> -> memref<10000xf32, #tpu.memory_space<hbm>>
        tpu.wait_dma2 semaphore(%run_scoped3A_145 : memref<!tpu.dma_semaphore, #tpu.memory_space<semaphore_mem>>) src(%dma_wait3A_151 : memref<10000xf32, #tpu.memory_space<hbm>>) dst(%arg10 : memref<10000xf32, #tpu.memory_space<vmem_shared>>)
        tpu.yield
      }) : () -> ()
    } else {
    }
    %dma_wait3A = arith.constant 0 : i32
    %dma_wait3A_40 = arith.constant 0 : i32
    %dma_wait3A_41 = tpu.memref_slice %arg5[%dma_wait3A, %dma_wait3A_40] : memref<2x10112xi32, #tpu.memory_space<vmem>> -> memref<2x9984xi32, #tpu.memory_space<vmem>>
    %dma_wait3A_42 = arith.constant 0 : i32
    %dma_wait3A_43 = tpu.memref_slice %arg3[%dma_wait3A_42, %mul3A_7] : memref<2x320000xi32, #tpu.memory_space<hbm>> -> memref<2x9984xi32, #tpu.memory_space<hbm>>
    %dma_wait3A_44 = arith.constant 0 : i32
    %dma_wait3A_45 = arith.constant 0 : i32
    %dma_wait3A_46 = tpu.memref_slice %arg5[%dma_wait3A_44, %dma_wait3A_45] : memref<2x10112xi32, #tpu.memory_space<vmem>> -> memref<2x9984xi32, #tpu.memory_space<vmem>>
    %dma_wait3A_47 = arith.constant 0 : i32
    %dma_wait3A_48 = tpu.memref_slice %arg3[%dma_wait3A_47, %mul3A_7] : memref<2x320000xi32, #tpu.memory_space<hbm>> -> memref<2x9984xi32, #tpu.memory_space<hbm>>
    tpu.wait_dma2 semaphore(%arg11 : memref<!tpu.dma_semaphore, #tpu.memory_space<semaphore_mem>>) src(%dma_wait3A_48 : memref<2x9984xi32, #tpu.memory_space<hbm>>) dst(%dma_wait3A_46 : memref<2x9984xi32, #tpu.memory_space<vmem>>)
    %dma_wait3A_49 = arith.constant 0 : i32
    %dma_wait3A_50 = arith.constant 0 : i32
    %dma_wait3A_51 = tpu.memref_slice %arg2[%dma_wait3A_49, %dma_wait3A_50] : memref<4x10000xf32, #tpu.memory_space<hbm>> -> memref<1x10000xf32, #tpu.memory_space<hbm>>
    %dma_wait3A_52 = tpu.memref_squeeze %dma_wait3A_51 : memref<1x10000xf32, #tpu.memory_space<hbm>> -> memref<10000xf32, #tpu.memory_space<hbm>>
    %dma_wait3A_53 = arith.constant 0 : i32
    %dma_wait3A_54 = tpu.memref_slice %arg2[%dma_wait3A_49, %dma_wait3A_53] : memref<4x10000xf32, #tpu.memory_space<hbm>> -> memref<1x10000xf32, #tpu.memory_space<hbm>>
    %dma_wait3A_55 = tpu.memref_squeeze %dma_wait3A_54 : memref<1x10000xf32, #tpu.memory_space<hbm>> -> memref<10000xf32, #tpu.memory_space<hbm>>
    tpu.wait_dma2 semaphore(%arg11 : memref<!tpu.dma_semaphore, #tpu.memory_space<semaphore_mem>>) src(%dma_wait3A_55 : memref<10000xf32, #tpu.memory_space<hbm>>) dst(%arg8 : memref<10000xf32, #tpu.memory_space<vmem>>)
    %dma_wait3A_56 = arith.constant 1 : i32
    %dma_wait3A_57 = arith.constant 0 : i32
    %dma_wait3A_58 = tpu.memref_slice %arg2[%dma_wait3A_56, %dma_wait3A_57] : memref<4x10000xf32, #tpu.memory_space<hbm>> -> memref<1x10000xf32, #tpu.memory_space<hbm>>
    %dma_wait3A_59 = tpu.memref_squeeze %dma_wait3A_58 : memref<1x10000xf32, #tpu.memory_space<hbm>> -> memref<10000xf32, #tpu.memory_space<hbm>>
    %dma_wait3A_60 = arith.constant 0 : i32
    %dma_wait3A_61 = tpu.memref_slice %arg2[%dma_wait3A_56, %dma_wait3A_60] : memref<4x10000xf32, #tpu.memory_space<hbm>> -> memref<1x10000xf32, #tpu.memory_space<hbm>>
    %dma_wait3A_62 = tpu.memref_squeeze %dma_wait3A_61 : memref<1x10000xf32, #tpu.memory_space<hbm>> -> memref<10000xf32, #tpu.memory_space<hbm>>
    tpu.wait_dma2 semaphore(%arg11 : memref<!tpu.dma_semaphore, #tpu.memory_space<semaphore_mem>>) src(%dma_wait3A_62 : memref<10000xf32, #tpu.memory_space<hbm>>) dst(%arg9 : memref<10000xf32, #tpu.memory_space<vmem>>)
    %barrier3A = arith.constant 0 : index
    tpu.barrier barrier_id(%barrier3A)
    %scan3A = arith.constant 0 : i32
    %scan3A_63 = arith.constant 0 : i32
    %scan3A_64 = arith.constant 20 : i32
    %scan3A_65 = arith.addi %scan3A_63, %scan3A_64 : i32
    %scan3A_66 = arith.constant 1 : i32
    scf.for %scan3A_145 = %scan3A_63 to %scan3A_65 step %scan3A_66  : i32 {
      %mul3A_146 = arith.constant 128 : i32
      %mul3A_147 = arith.muli %scan3A_145, %mul3A_146 : i32
      %add3A_148 = arith.constant 0 : i32
      %add3A_149 = arith.addi %mul3A_147, %add3A_148 : i32
      %get3A = arith.constant 0 : i32
      %get3A_150 = arith.index_cast %get3A : i32 to index
      %get3A_151 = arith.index_cast %add3A_149 : i32 to index
      %get3A_152 = tpu.vector_load %arg5[%get3A_150, %get3A_151] {strides = array<i32>} : memref<2x10112xi32, #tpu.memory_space<vmem>>, vector<16xi32>,
      %get3A_153 = arith.constant 1 : i32
      %get3A_154 = arith.index_cast %get3A_153 : i32 to index
      %get3A_155 = arith.index_cast %add3A_149 : i32 to index
      %get3A_156 = tpu.vector_load %arg5[%get3A_154, %get3A_155] {strides = array<i32>} : memref<2x10112xi32, #tpu.memory_space<vmem>>, vector<16xi32>,
      %gather3A = tpu.vector_load_idx %arg8[%get3A_152] : memref<10000xf32, #tpu.memory_space<vmem>>[vector<16xi32>], vector<16xf32>,
      %gather3A_157 = tpu.vector_load_idx %arg9[%get3A_156] : memref<10000xf32, #tpu.memory_space<vmem>>[vector<16xi32>], vector<16xf32>,
      %add3A_158 = arith.addf %gather3A, %gather3A_157 : vector<16xf32>
      %swap3A = arith.index_cast %add3A_149 : i32 to index
      %swap3A_159 = tpu.vector_load %arg7[%swap3A] {strides = array<i32>} : memref<10112xf32, #tpu.memory_space<vmem>>, vector<16xf32>,
      tpu.vector_store %arg7[%swap3A], %add3A_158 {strides = array<i32>} : memref<10112xf32, #tpu.memory_space<vmem>>, vector<16xf32>,
      %swap3A_160 = arith.index_cast %add3A_149 : i32 to index
      %swap3A_161 = tpu.vector_load %arg6[%swap3A_160] {strides = array<i32>} : memref<10112xi32, #tpu.memory_space<vmem>>, vector<16xi32>,
      tpu.vector_store %arg6[%swap3A_160], %get3A_156 {strides = array<i32>} : memref<10112xi32, #tpu.memory_space<vmem>>, vector<16xi32>,
      %add3A_162 = arith.constant 16 : i32
      %add3A_163 = arith.addi %mul3A_147, %add3A_162 : i32
      %get3A_164 = arith.constant 0 : i32
      %get3A_165 = arith.index_cast %get3A_164 : i32 to index
      %get3A_166 = arith.index_cast %add3A_163 : i32 to index
      %get3A_167 = tpu.vector_load %arg5[%get3A_165, %get3A_166] {strides = array<i32>} : memref<2x10112xi32, #tpu.memory_space<vmem>>, vector<16xi32>,
      %get3A_168 = arith.constant 1 : i32
      %get3A_169 = arith.index_cast %get3A_168 : i32 to index
      %get3A_170 = arith.index_cast %add3A_163 : i32 to index
      %get3A_171 = tpu.vector_load %arg5[%get3A_169, %get3A_170] {strides = array<i32>} : memref<2x10112xi32, #tpu.memory_space<vmem>>, vector<16xi32>,
      %gather3A_172 = tpu.vector_load_idx %arg8[%get3A_167] : memref<10000xf32, #tpu.memory_space<vmem>>[vector<16xi32>], vector<16xf32>,
      %gather3A_173 = tpu.vector_load_idx %arg9[%get3A_171] : memref<10000xf32, #tpu.memory_space<vmem>>[vector<16xi32>], vector<16xf32>,
      %add3A_174 = arith.addf %gather3A_172, %gather3A_173 : vector<16xf32>
      %swap3A_175 = arith.index_cast %add3A_163 : i32 to index
      %swap3A_176 = tpu.vector_load %arg7[%swap3A_175] {strides = array<i32>} : memref<10112xf32, #tpu.memory_space<vmem>>, vector<16xf32>,
      tpu.vector_store %arg7[%swap3A_175], %add3A_174 {strides = array<i32>} : memref<10112xf32, #tpu.memory_space<vmem>>, vector<16xf32>,
      %swap3A_177 = arith.index_cast %add3A_163 : i32 to index
      %swap3A_178 = tpu.vector_load %arg6[%swap3A_177] {strides = array<i32>} : memref<10112xi32, #tpu.memory_space<vmem>>, vector<16xi32>,
      tpu.vector_store %arg6[%swap3A_177], %get3A_171 {strides = array<i32>} : memref<10112xi32, #tpu.memory_space<vmem>>, vector<16xi32>,
      %add3A_179 = arith.constant 32 : i32
      %add3A_180 = arith.addi %mul3A_147, %add3A_179 : i32
      %get3A_181 = arith.constant 0 : i32
      %get3A_182 = arith.index_cast %get3A_181 : i32 to index
      %get3A_183 = arith.index_cast %add3A_180 : i32 to index
      %get3A_184 = tpu.vector_load %arg5[%get3A_182, %get3A_183] {strides = array<i32>} : memref<2x10112xi32, #tpu.memory_space<vmem>>, vector<16xi32>,
      %get3A_185 = arith.constant 1 : i32
      %get3A_186 = arith.index_cast %get3A_185 : i32 to index
      %get3A_187 = arith.index_cast %add3A_180 : i32 to index
      %get3A_188 = tpu.vector_load %arg5[%get3A_186, %get3A_187] {strides = array<i32>} : memref<2x10112xi32, #tpu.memory_space<vmem>>, vector<16xi32>,
      %gather3A_189 = tpu.vector_load_idx %arg8[%get3A_184] : memref<10000xf32, #tpu.memory_space<vmem>>[vector<16xi32>], vector<16xf32>,
      %gather3A_190 = tpu.vector_load_idx %arg9[%get3A_188] : memref<10000xf32, #tpu.memory_space<vmem>>[vector<16xi32>], vector<16xf32>,
      %add3A_191 = arith.addf %gather3A_189, %gather3A_190 : vector<16xf32>
      %swap3A_192 = arith.index_cast %add3A_180 : i32 to index
      %swap3A_193 = tpu.vector_load %arg7[%swap3A_192] {strides = array<i32>} : memref<10112xf32, #tpu.memory_space<vmem>>, vector<16xf32>,
      tpu.vector_store %arg7[%swap3A_192], %add3A_191 {strides = array<i32>} : memref<10112xf32, #tpu.memory_space<vmem>>, vector<16xf32>,
      %swap3A_194 = arith.index_cast %add3A_180 : i32 to index
      %swap3A_195 = tpu.vector_load %arg6[%swap3A_194] {strides = array<i32>} : memref<10112xi32, #tpu.memory_space<vmem>>, vector<16xi32>,
      tpu.vector_store %arg6[%swap3A_194], %get3A_188 {strides = array<i32>} : memref<10112xi32, #tpu.memory_space<vmem>>, vector<16xi32>,
      %add3A_196 = arith.constant 48 : i32
      %add3A_197 = arith.addi %mul3A_147, %add3A_196 : i32
      %get3A_198 = arith.constant 0 : i32
      %get3A_199 = arith.index_cast %get3A_198 : i32 to index
      %get3A_200 = arith.index_cast %add3A_197 : i32 to index
      %get3A_201 = tpu.vector_load %arg5[%get3A_199, %get3A_200] {strides = array<i32>} : memref<2x10112xi32, #tpu.memory_space<vmem>>, vector<16xi32>,
      %get3A_202 = arith.constant 1 : i32
      %get3A_203 = arith.index_cast %get3A_202 : i32 to index
      %get3A_204 = arith.index_cast %add3A_197 : i32 to index
      %get3A_205 = tpu.vector_load %arg5[%get3A_203, %get3A_204] {strides = array<i32>} : memref<2x10112xi32, #tpu.memory_space<vmem>>, vector<16xi32>,
      %gather3A_206 = tpu.vector_load_idx %arg8[%get3A_201] : memref<10000xf32, #tpu.memory_space<vmem>>[vector<16xi32>], vector<16xf32>,
      %gather3A_207 = tpu.vector_load_idx %arg9[%get3A_205] : memref<10000xf32, #tpu.memory_space<vmem>>[vector<16xi32>], vector<16xf32>,
      %add3A_208 = arith.addf %gather3A_206, %gather3A_207 : vector<16xf32>
      %swap3A_209 = arith.index_cast %add3A_197 : i32 to index
      %swap3A_210 = tpu.vector_load %arg7[%swap3A_209] {strides = array<i32>} : memref<10112xf32, #tpu.memory_space<vmem>>, vector<16xf32>,
      tpu.vector_store %arg7[%swap3A_209], %add3A_208 {strides = array<i32>} : memref<10112xf32, #tpu.memory_space<vmem>>, vector<16xf32>,
      %swap3A_211 = arith.index_cast %add3A_197 : i32 to index
      %swap3A_212 = tpu.vector_load %arg6[%swap3A_211] {strides = array<i32>} : memref<10112xi32, #tpu.memory_space<vmem>>, vector<16xi32>,
      tpu.vector_store %arg6[%swap3A_211], %get3A_205 {strides = array<i32>} : memref<10112xi32, #tpu.memory_space<vmem>>, vector<16xi32>,
      %add3A_213 = arith.constant 64 : i32
      %add3A_214 = arith.addi %mul3A_147, %add3A_213 : i32
      %get3A_215 = arith.constant 0 : i32
      %get3A_216 = arith.index_cast %get3A_215 : i32 to index
      %get3A_217 = arith.index_cast %add3A_214 : i32 to index
      %get3A_218 = tpu.vector_load %arg5[%get3A_216, %get3A_217] {strides = array<i32>} : memref<2x10112xi32, #tpu.memory_space<vmem>>, vector<16xi32>,
      %get3A_219 = arith.constant 1 : i32
      %get3A_220 = arith.index_cast %get3A_219 : i32 to index
      %get3A_221 = arith.index_cast %add3A_214 : i32 to index
      %get3A_222 = tpu.vector_load %arg5[%get3A_220, %get3A_221] {strides = array<i32>} : memref<2x10112xi32, #tpu.memory_space<vmem>>, vector<16xi32>,
      %gather3A_223 = tpu.vector_load_idx %arg8[%get3A_218] : memref<10000xf32, #tpu.memory_space<vmem>>[vector<16xi32>], vector<16xf32>,
      %gather3A_224 = tpu.vector_load_idx %arg9[%get3A_222] : memref<10000xf32, #tpu.memory_space<vmem>>[vector<16xi32>], vector<16xf32>,
      %add3A_225 = arith.addf %gather3A_223, %gather3A_224 : vector<16xf32>
      %swap3A_226 = arith.index_cast %add3A_214 : i32 to index
      %swap3A_227 = tpu.vector_load %arg7[%swap3A_226] {strides = array<i32>} : memref<10112xf32, #tpu.memory_space<vmem>>, vector<16xf32>,
      tpu.vector_store %arg7[%swap3A_226], %add3A_225 {strides = array<i32>} : memref<10112xf32, #tpu.memory_space<vmem>>, vector<16xf32>,
      %swap3A_228 = arith.index_cast %add3A_214 : i32 to index
      %swap3A_229 = tpu.vector_load %arg6[%swap3A_228] {strides = array<i32>} : memref<10112xi32, #tpu.memory_space<vmem>>, vector<16xi32>,
      tpu.vector_store %arg6[%swap3A_228], %get3A_222 {strides = array<i32>} : memref<10112xi32, #tpu.memory_space<vmem>>, vector<16xi32>,
      %add3A_230 = arith.constant 80 : i32
      %add3A_231 = arith.addi %mul3A_147, %add3A_230 : i32
      %get3A_232 = arith.constant 0 : i32
      %get3A_233 = arith.index_cast %get3A_232 : i32 to index
      %get3A_234 = arith.index_cast %add3A_231 : i32 to index
      %get3A_235 = tpu.vector_load %arg5[%get3A_233, %get3A_234] {strides = array<i32>} : memref<2x10112xi32, #tpu.memory_space<vmem>>, vector<16xi32>,
      %get3A_236 = arith.constant 1 : i32
      %get3A_237 = arith.index_cast %get3A_236 : i32 to index
      %get3A_238 = arith.index_cast %add3A_231 : i32 to index
      %get3A_239 = tpu.vector_load %arg5[%get3A_237, %get3A_238] {strides = array<i32>} : memref<2x10112xi32, #tpu.memory_space<vmem>>, vector<16xi32>,
      %gather3A_240 = tpu.vector_load_idx %arg8[%get3A_235] : memref<10000xf32, #tpu.memory_space<vmem>>[vector<16xi32>], vector<16xf32>,
      %gather3A_241 = tpu.vector_load_idx %arg9[%get3A_239] : memref<10000xf32, #tpu.memory_space<vmem>>[vector<16xi32>], vector<16xf32>,
      %add3A_242 = arith.addf %gather3A_240, %gather3A_241 : vector<16xf32>
      %swap3A_243 = arith.index_cast %add3A_231 : i32 to index
      %swap3A_244 = tpu.vector_load %arg7[%swap3A_243] {strides = array<i32>} : memref<10112xf32, #tpu.memory_space<vmem>>, vector<16xf32>,
      tpu.vector_store %arg7[%swap3A_243], %add3A_242 {strides = array<i32>} : memref<10112xf32, #tpu.memory_space<vmem>>, vector<16xf32>,
      %swap3A_245 = arith.index_cast %add3A_231 : i32 to index
      %swap3A_246 = tpu.vector_load %arg6[%swap3A_245] {strides = array<i32>} : memref<10112xi32, #tpu.memory_space<vmem>>, vector<16xi32>,
      tpu.vector_store %arg6[%swap3A_245], %get3A_239 {strides = array<i32>} : memref<10112xi32, #tpu.memory_space<vmem>>, vector<16xi32>,
      %add3A_247 = arith.constant 96 : i32
      %add3A_248 = arith.addi %mul3A_147, %add3A_247 : i32
      %get3A_249 = arith.constant 0 : i32
      %get3A_250 = arith.index_cast %get3A_249 : i32 to index
      %get3A_251 = arith.index_cast %add3A_248 : i32 to index
      %get3A_252 = tpu.vector_load %arg5[%get3A_250, %get3A_251] {strides = array<i32>} : memref<2x10112xi32, #tpu.memory_space<vmem>>, vector<16xi32>,
      %get3A_253 = arith.constant 1 : i32
      %get3A_254 = arith.index_cast %get3A_253 : i32 to index
      %get3A_255 = arith.index_cast %add3A_248 : i32 to index
      %get3A_256 = tpu.vector_load %arg5[%get3A_254, %get3A_255] {strides = array<i32>} : memref<2x10112xi32, #tpu.memory_space<vmem>>, vector<16xi32>,
      %gather3A_257 = tpu.vector_load_idx %arg8[%get3A_252] : memref<10000xf32, #tpu.memory_space<vmem>>[vector<16xi32>], vector<16xf32>,
      %gather3A_258 = tpu.vector_load_idx %arg9[%get3A_256] : memref<10000xf32, #tpu.memory_space<vmem>>[vector<16xi32>], vector<16xf32>,
      %add3A_259 = arith.addf %gather3A_257, %gather3A_258 : vector<16xf32>
      %swap3A_260 = arith.index_cast %add3A_248 : i32 to index
      %swap3A_261 = tpu.vector_load %arg7[%swap3A_260] {strides = array<i32>} : memref<10112xf32, #tpu.memory_space<vmem>>, vector<16xf32>,
      tpu.vector_store %arg7[%swap3A_260], %add3A_259 {strides = array<i32>} : memref<10112xf32, #tpu.memory_space<vmem>>, vector<16xf32>,
      %swap3A_262 = arith.index_cast %add3A_248 : i32 to index
      %swap3A_263 = tpu.vector_load %arg6[%swap3A_262] {strides = array<i32>} : memref<10112xi32, #tpu.memory_space<vmem>>, vector<16xi32>,
      tpu.vector_store %arg6[%swap3A_262], %get3A_256 {strides = array<i32>} : memref<10112xi32, #tpu.memory_space<vmem>>, vector<16xi32>,
      %add3A_264 = arith.constant 112 : i32
      %add3A_265 = arith.addi %mul3A_147, %add3A_264 : i32
      %get3A_266 = arith.constant 0 : i32
      %get3A_267 = arith.index_cast %get3A_266 : i32 to index
      %get3A_268 = arith.index_cast %add3A_265 : i32 to index
      %get3A_269 = tpu.vector_load %arg5[%get3A_267, %get3A_268] {strides = array<i32>} : memref<2x10112xi32, #tpu.memory_space<vmem>>, vector<16xi32>,
      %get3A_270 = arith.constant 1 : i32
      %get3A_271 = arith.index_cast %get3A_270 : i32 to index
      %get3A_272 = arith.index_cast %add3A_265 : i32 to index
      %get3A_273 = tpu.vector_load %arg5[%get3A_271, %get3A_272] {strides = array<i32>} : memref<2x10112xi32, #tpu.memory_space<vmem>>, vector<16xi32>,
      %gather3A_274 = tpu.vector_load_idx %arg8[%get3A_269] : memref<10000xf32, #tpu.memory_space<vmem>>[vector<16xi32>], vector<16xf32>,
      %gather3A_275 = tpu.vector_load_idx %arg9[%get3A_273] : memref<10000xf32, #tpu.memory_space<vmem>>[vector<16xi32>], vector<16xf32>,
      %add3A_276 = arith.addf %gather3A_274, %gather3A_275 : vector<16xf32>
      %swap3A_277 = arith.index_cast %add3A_265 : i32 to index
      %swap3A_278 = tpu.vector_load %arg7[%swap3A_277] {strides = array<i32>} : memref<10112xf32, #tpu.memory_space<vmem>>, vector<16xf32>,
      tpu.vector_store %arg7[%swap3A_277], %add3A_276 {strides = array<i32>} : memref<10112xf32, #tpu.memory_space<vmem>>, vector<16xf32>,
      %swap3A_279 = arith.index_cast %add3A_265 : i32 to index
      %swap3A_280 = tpu.vector_load %arg6[%swap3A_279] {strides = array<i32>} : memref<10112xi32, #tpu.memory_space<vmem>>, vector<16xi32>,
      tpu.vector_store %arg6[%swap3A_279], %get3A_273 {strides = array<i32>} : memref<10112xi32, #tpu.memory_space<vmem>>, vector<16xi32>,
    }
    %scan3A_67 = arith.constant 20 : i32
    %dma_start3A_68 = arith.constant 0 : i32
    %dma_start3A_69 = tpu.memref_slice %arg7[%dma_start3A_68] : memref<10112xf32, #tpu.memory_space<vmem>> -> memref<2560xf32, #tpu.memory_space<vmem>>
    %dma_start3A_70 = arith.constant 0 : i32
    %dma_start3A_71 = tpu.memref_slice %arg6[%dma_start3A_70] : memref<10112xi32, #tpu.memory_space<vmem>> -> memref<2560xi32, #tpu.memory_space<vmem>>
    %dma_start3A_72 = arith.constant 0 : i32
    %dma_start3A_73 = tpu.memref_slice %arg10[%dma_start3A_72] : memref<10000xf32, #tpu.memory_space<vmem_shared>> -> memref<10000xf32, #tpu.memory_space<vmem_shared>>
    tpu.enqueue_indirect_dma source(%dma_start3A_69 : memref<2560xf32, #tpu.memory_space<vmem>>) target(%dma_start3A_73 : memref<10000xf32, #tpu.memory_space<vmem_shared>>) offsets(%dma_start3A_71 : memref<2560xi32, #tpu.memory_space<vmem>>) semaphore(%arg12 : memref<!tpu.dma_semaphore, #tpu.memory_space<semaphore_mem>>) {add = true}
    %scan3A_74 = arith.constant 0 : i32
    %scan3A_75 = arith.constant 20 : i32
    %scan3A_76 = arith.constant 20 : i32
    %scan3A_77 = arith.addi %scan3A_75, %scan3A_76 : i32
    %scan3A_78 = arith.constant 1 : i32
    scf.for %scan3A_145 = %scan3A_75 to %scan3A_77 step %scan3A_78  : i32 {
      %mul3A_146 = arith.constant 128 : i32
      %mul3A_147 = arith.muli %scan3A_145, %mul3A_146 : i32
      %add3A_148 = arith.constant 0 : i32
      %add3A_149 = arith.addi %mul3A_147, %add3A_148 : i32
      %get3A = arith.constant 0 : i32
      %get3A_150 = arith.index_cast %get3A : i32 to index
      %get3A_151 = arith.index_cast %add3A_149 : i32 to index
      %get3A_152 = tpu.vector_load %arg5[%get3A_150, %get3A_151] {strides = array<i32>} : memref<2x10112xi32, #tpu.memory_space<vmem>>, vector<16xi32>,
      %get3A_153 = arith.constant 1 : i32
      %get3A_154 = arith.index_cast %get3A_153 : i32 to index
      %get3A_155 = arith.index_cast %add3A_149 : i32 to index
      %get3A_156 = tpu.vector_load %arg5[%get3A_154, %get3A_155] {strides = array<i32>} : memref<2x10112xi32, #tpu.memory_space<vmem>>, vector<16xi32>,
      %gather3A = tpu.vector_load_idx %arg8[%get3A_152] : memref<10000xf32, #tpu.memory_space<vmem>>[vector<16xi32>], vector<16xf32>,
      %gather3A_157 = tpu.vector_load_idx %arg9[%get3A_156] : memref<10000xf32, #tpu.memory_space<vmem>>[vector<16xi32>], vector<16xf32>,
      %add3A_158 = arith.addf %gather3A, %gather3A_157 : vector<16xf32>
      %swap3A = arith.index_cast %add3A_149 : i32 to index
      %swap3A_159 = tpu.vector_load %arg7[%swap3A] {strides = array<i32>} : memref<10112xf32, #tpu.memory_space<vmem>>, vector<16xf32>,
      tpu.vector_store %arg7[%swap3A], %add3A_158 {strides = array<i32>} : memref<10112xf32, #tpu.memory_space<vmem>>, vector<16xf32>,
      %swap3A_160 = arith.index_cast %add3A_149 : i32 to index
      %swap3A_161 = tpu.vector_load %arg6[%swap3A_160] {strides = array<i32>} : memref<10112xi32, #tpu.memory_space<vmem>>, vector<16xi32>,
      tpu.vector_store %arg6[%swap3A_160], %get3A_156 {strides = array<i32>} : memref<10112xi32, #tpu.memory_space<vmem>>, vector<16xi32>,
      %add3A_162 = arith.constant 16 : i32
      %add3A_163 = arith.addi %mul3A_147, %add3A_162 : i32
      %get3A_164 = arith.constant 0 : i32
      %get3A_165 = arith.index_cast %get3A_164 : i32 to index
      %get3A_166 = arith.index_cast %add3A_163 : i32 to index
      %get3A_167 = tpu.vector_load %arg5[%get3A_165, %get3A_166] {strides = array<i32>} : memref<2x10112xi32, #tpu.memory_space<vmem>>, vector<16xi32>,
      %get3A_168 = arith.constant 1 : i32
      %get3A_169 = arith.index_cast %get3A_168 : i32 to index
      %get3A_170 = arith.index_cast %add3A_163 : i32 to index
      %get3A_171 = tpu.vector_load %arg5[%get3A_169, %get3A_170] {strides = array<i32>} : memref<2x10112xi32, #tpu.memory_space<vmem>>, vector<16xi32>,
      %gather3A_172 = tpu.vector_load_idx %arg8[%get3A_167] : memref<10000xf32, #tpu.memory_space<vmem>>[vector<16xi32>], vector<16xf32>,
      %gather3A_173 = tpu.vector_load_idx %arg9[%get3A_171] : memref<10000xf32, #tpu.memory_space<vmem>>[vector<16xi32>], vector<16xf32>,
      %add3A_174 = arith.addf %gather3A_172, %gather3A_173 : vector<16xf32>
      %swap3A_175 = arith.index_cast %add3A_163 : i32 to index
      %swap3A_176 = tpu.vector_load %arg7[%swap3A_175] {strides = array<i32>} : memref<10112xf32, #tpu.memory_space<vmem>>, vector<16xf32>,
      tpu.vector_store %arg7[%swap3A_175], %add3A_174 {strides = array<i32>} : memref<10112xf32, #tpu.memory_space<vmem>>, vector<16xf32>,
      %swap3A_177 = arith.index_cast %add3A_163 : i32 to index
      %swap3A_178 = tpu.vector_load %arg6[%swap3A_177] {strides = array<i32>} : memref<10112xi32, #tpu.memory_space<vmem>>, vector<16xi32>,
      tpu.vector_store %arg6[%swap3A_177], %get3A_171 {strides = array<i32>} : memref<10112xi32, #tpu.memory_space<vmem>>, vector<16xi32>,
      %add3A_179 = arith.constant 32 : i32
      %add3A_180 = arith.addi %mul3A_147, %add3A_179 : i32
      %get3A_181 = arith.constant 0 : i32
      %get3A_182 = arith.index_cast %get3A_181 : i32 to index
      %get3A_183 = arith.index_cast %add3A_180 : i32 to index
      %get3A_184 = tpu.vector_load %arg5[%get3A_182, %get3A_183] {strides = array<i32>} : memref<2x10112xi32, #tpu.memory_space<vmem>>, vector<16xi32>,
      %get3A_185 = arith.constant 1 : i32
      %get3A_186 = arith.index_cast %get3A_185 : i32 to index
      %get3A_187 = arith.index_cast %add3A_180 : i32 to index
      %get3A_188 = tpu.vector_load %arg5[%get3A_186, %get3A_187] {strides = array<i32>} : memref<2x10112xi32, #tpu.memory_space<vmem>>, vector<16xi32>,
      %gather3A_189 = tpu.vector_load_idx %arg8[%get3A_184] : memref<10000xf32, #tpu.memory_space<vmem>>[vector<16xi32>], vector<16xf32>,
      %gather3A_190 = tpu.vector_load_idx %arg9[%get3A_188] : memref<10000xf32, #tpu.memory_space<vmem>>[vector<16xi32>], vector<16xf32>,
      %add3A_191 = arith.addf %gather3A_189, %gather3A_190 : vector<16xf32>
      %swap3A_192 = arith.index_cast %add3A_180 : i32 to index
      %swap3A_193 = tpu.vector_load %arg7[%swap3A_192] {strides = array<i32>} : memref<10112xf32, #tpu.memory_space<vmem>>, vector<16xf32>,
      tpu.vector_store %arg7[%swap3A_192], %add3A_191 {strides = array<i32>} : memref<10112xf32, #tpu.memory_space<vmem>>, vector<16xf32>,
      %swap3A_194 = arith.index_cast %add3A_180 : i32 to index
      %swap3A_195 = tpu.vector_load %arg6[%swap3A_194] {strides = array<i32>} : memref<10112xi32, #tpu.memory_space<vmem>>, vector<16xi32>,
      tpu.vector_store %arg6[%swap3A_194], %get3A_188 {strides = array<i32>} : memref<10112xi32, #tpu.memory_space<vmem>>, vector<16xi32>,
      %add3A_196 = arith.constant 48 : i32
      %add3A_197 = arith.addi %mul3A_147, %add3A_196 : i32
      %get3A_198 = arith.constant 0 : i32
      %get3A_199 = arith.index_cast %get3A_198 : i32 to index
      %get3A_200 = arith.index_cast %add3A_197 : i32 to index
      %get3A_201 = tpu.vector_load %arg5[%get3A_199, %get3A_200] {strides = array<i32>} : memref<2x10112xi32, #tpu.memory_space<vmem>>, vector<16xi32>,
      %get3A_202 = arith.constant 1 : i32
      %get3A_203 = arith.index_cast %get3A_202 : i32 to index
      %get3A_204 = arith.index_cast %add3A_197 : i32 to index
      %get3A_205 = tpu.vector_load %arg5[%get3A_203, %get3A_204] {strides = array<i32>} : memref<2x10112xi32, #tpu.memory_space<vmem>>, vector<16xi32>,
      %gather3A_206 = tpu.vector_load_idx %arg8[%get3A_201] : memref<10000xf32, #tpu.memory_space<vmem>>[vector<16xi32>], vector<16xf32>,
      %gather3A_207 = tpu.vector_load_idx %arg9[%get3A_205] : memref<10000xf32, #tpu.memory_space<vmem>>[vector<16xi32>], vector<16xf32>,
      %add3A_208 = arith.addf %gather3A_206, %gather3A_207 : vector<16xf32>
      %swap3A_209 = arith.index_cast %add3A_197 : i32 to index
      %swap3A_210 = tpu.vector_load %arg7[%swap3A_209] {strides = array<i32>} : memref<10112xf32, #tpu.memory_space<vmem>>, vector<16xf32>,
      tpu.vector_store %arg7[%swap3A_209], %add3A_208 {strides = array<i32>} : memref<10112xf32, #tpu.memory_space<vmem>>, vector<16xf32>,
      %swap3A_211 = arith.index_cast %add3A_197 : i32 to index
      %swap3A_212 = tpu.vector_load %arg6[%swap3A_211] {strides = array<i32>} : memref<10112xi32, #tpu.memory_space<vmem>>, vector<16xi32>,
      tpu.vector_store %arg6[%swap3A_211], %get3A_205 {strides = array<i32>} : memref<10112xi32, #tpu.memory_space<vmem>>, vector<16xi32>,
      %add3A_213 = arith.constant 64 : i32
      %add3A_214 = arith.addi %mul3A_147, %add3A_213 : i32
      %get3A_215 = arith.constant 0 : i32
      %get3A_216 = arith.index_cast %get3A_215 : i32 to index
      %get3A_217 = arith.index_cast %add3A_214 : i32 to index
      %get3A_218 = tpu.vector_load %arg5[%get3A_216, %get3A_217] {strides = array<i32>} : memref<2x10112xi32, #tpu.memory_space<vmem>>, vector<16xi32>,
      %get3A_219 = arith.constant 1 : i32
      %get3A_220 = arith.index_cast %get3A_219 : i32 to index
      %get3A_221 = arith.index_cast %add3A_214 : i32 to index
      %get3A_222 = tpu.vector_load %arg5[%get3A_220, %get3A_221] {strides = array<i32>} : memref<2x10112xi32, #tpu.memory_space<vmem>>, vector<16xi32>,
      %gather3A_223 = tpu.vector_load_idx %arg8[%get3A_218] : memref<10000xf32, #tpu.memory_space<vmem>>[vector<16xi32>], vector<16xf32>,
      %gather3A_224 = tpu.vector_load_idx %arg9[%get3A_222] : memref<10000xf32, #tpu.memory_space<vmem>>[vector<16xi32>], vector<16xf32>,
      %add3A_225 = arith.addf %gather3A_223, %gather3A_224 : vector<16xf32>
      %swap3A_226 = arith.index_cast %add3A_214 : i32 to index
      %swap3A_227 = tpu.vector_load %arg7[%swap3A_226] {strides = array<i32>} : memref<10112xf32, #tpu.memory_space<vmem>>, vector<16xf32>,
      tpu.vector_store %arg7[%swap3A_226], %add3A_225 {strides = array<i32>} : memref<10112xf32, #tpu.memory_space<vmem>>, vector<16xf32>,
      %swap3A_228 = arith.index_cast %add3A_214 : i32 to index
      %swap3A_229 = tpu.vector_load %arg6[%swap3A_228] {strides = array<i32>} : memref<10112xi32, #tpu.memory_space<vmem>>, vector<16xi32>,
      tpu.vector_store %arg6[%swap3A_228], %get3A_222 {strides = array<i32>} : memref<10112xi32, #tpu.memory_space<vmem>>, vector<16xi32>,
      %add3A_230 = arith.constant 80 : i32
      %add3A_231 = arith.addi %mul3A_147, %add3A_230 : i32
      %get3A_232 = arith.constant 0 : i32
      %get3A_233 = arith.index_cast %get3A_232 : i32 to index
      %get3A_234 = arith.index_cast %add3A_231 : i32 to index
      %get3A_235 = tpu.vector_load %arg5[%get3A_233, %get3A_234] {strides = array<i32>} : memref<2x10112xi32, #tpu.memory_space<vmem>>, vector<16xi32>,
      %get3A_236 = arith.constant 1 : i32
      %get3A_237 = arith.index_cast %get3A_236 : i32 to index
      %get3A_238 = arith.index_cast %add3A_231 : i32 to index
      %get3A_239 = tpu.vector_load %arg5[%get3A_237, %get3A_238] {strides = array<i32>} : memref<2x10112xi32, #tpu.memory_space<vmem>>, vector<16xi32>,
      %gather3A_240 = tpu.vector_load_idx %arg8[%get3A_235] : memref<10000xf32, #tpu.memory_space<vmem>>[vector<16xi32>], vector<16xf32>,
      %gather3A_241 = tpu.vector_load_idx %arg9[%get3A_239] : memref<10000xf32, #tpu.memory_space<vmem>>[vector<16xi32>], vector<16xf32>,
      %add3A_242 = arith.addf %gather3A_240, %gather3A_241 : vector<16xf32>
      %swap3A_243 = arith.index_cast %add3A_231 : i32 to index
      %swap3A_244 = tpu.vector_load %arg7[%swap3A_243] {strides = array<i32>} : memref<10112xf32, #tpu.memory_space<vmem>>, vector<16xf32>,
      tpu.vector_store %arg7[%swap3A_243], %add3A_242 {strides = array<i32>} : memref<10112xf32, #tpu.memory_space<vmem>>, vector<16xf32>,
      %swap3A_245 = arith.index_cast %add3A_231 : i32 to index
      %swap3A_246 = tpu.vector_load %arg6[%swap3A_245] {strides = array<i32>} : memref<10112xi32, #tpu.memory_space<vmem>>, vector<16xi32>,
      tpu.vector_store %arg6[%swap3A_245], %get3A_239 {strides = array<i32>} : memref<10112xi32, #tpu.memory_space<vmem>>, vector<16xi32>,
      %add3A_247 = arith.constant 96 : i32
      %add3A_248 = arith.addi %mul3A_147, %add3A_247 : i32
      %get3A_249 = arith.constant 0 : i32
      %get3A_250 = arith.index_cast %get3A_249 : i32 to index
      %get3A_251 = arith.index_cast %add3A_248 : i32 to index
      %get3A_252 = tpu.vector_load %arg5[%get3A_250, %get3A_251] {strides = array<i32>} : memref<2x10112xi32, #tpu.memory_space<vmem>>, vector<16xi32>,
      %get3A_253 = arith.constant 1 : i32
      %get3A_254 = arith.index_cast %get3A_253 : i32 to index
      %get3A_255 = arith.index_cast %add3A_248 : i32 to index
      %get3A_256 = tpu.vector_load %arg5[%get3A_254, %get3A_255] {strides = array<i32>} : memref<2x10112xi32, #tpu.memory_space<vmem>>, vector<16xi32>,
      %gather3A_257 = tpu.vector_load_idx %arg8[%get3A_252] : memref<10000xf32, #tpu.memory_space<vmem>>[vector<16xi32>], vector<16xf32>,
      %gather3A_258 = tpu.vector_load_idx %arg9[%get3A_256] : memref<10000xf32, #tpu.memory_space<vmem>>[vector<16xi32>], vector<16xf32>,
      %add3A_259 = arith.addf %gather3A_257, %gather3A_258 : vector<16xf32>
      %swap3A_260 = arith.index_cast %add3A_248 : i32 to index
      %swap3A_261 = tpu.vector_load %arg7[%swap3A_260] {strides = array<i32>} : memref<10112xf32, #tpu.memory_space<vmem>>, vector<16xf32>,
      tpu.vector_store %arg7[%swap3A_260], %add3A_259 {strides = array<i32>} : memref<10112xf32, #tpu.memory_space<vmem>>, vector<16xf32>,
      %swap3A_262 = arith.index_cast %add3A_248 : i32 to index
      %swap3A_263 = tpu.vector_load %arg6[%swap3A_262] {strides = array<i32>} : memref<10112xi32, #tpu.memory_space<vmem>>, vector<16xi32>,
      tpu.vector_store %arg6[%swap3A_262], %get3A_256 {strides = array<i32>} : memref<10112xi32, #tpu.memory_space<vmem>>, vector<16xi32>,
      %add3A_264 = arith.constant 112 : i32
      %add3A_265 = arith.addi %mul3A_147, %add3A_264 : i32
      %get3A_266 = arith.constant 0 : i32
      %get3A_267 = arith.index_cast %get3A_266 : i32 to index
      %get3A_268 = arith.index_cast %add3A_265 : i32 to index
      %get3A_269 = tpu.vector_load %arg5[%get3A_267, %get3A_268] {strides = array<i32>} : memref<2x10112xi32, #tpu.memory_space<vmem>>, vector<16xi32>,
      %get3A_270 = arith.constant 1 : i32
      %get3A_271 = arith.index_cast %get3A_270 : i32 to index
      %get3A_272 = arith.index_cast %add3A_265 : i32 to index
      %get3A_273 = tpu.vector_load %arg5[%get3A_271, %get3A_272] {strides = array<i32>} : memref<2x10112xi32, #tpu.memory_space<vmem>>, vector<16xi32>,
      %gather3A_274 = tpu.vector_load_idx %arg8[%get3A_269] : memref<10000xf32, #tpu.memory_space<vmem>>[vector<16xi32>], vector<16xf32>,
      %gather3A_275 = tpu.vector_load_idx %arg9[%get3A_273] : memref<10000xf32, #tpu.memory_space<vmem>>[vector<16xi32>], vector<16xf32>,
      %add3A_276 = arith.addf %gather3A_274, %gather3A_275 : vector<16xf32>
      %swap3A_277 = arith.index_cast %add3A_265 : i32 to index
      %swap3A_278 = tpu.vector_load %arg7[%swap3A_277] {strides = array<i32>} : memref<10112xf32, #tpu.memory_space<vmem>>, vector<16xf32>,
      tpu.vector_store %arg7[%swap3A_277], %add3A_276 {strides = array<i32>} : memref<10112xf32, #tpu.memory_space<vmem>>, vector<16xf32>,
      %swap3A_279 = arith.index_cast %add3A_265 : i32 to index
      %swap3A_280 = tpu.vector_load %arg6[%swap3A_279] {strides = array<i32>} : memref<10112xi32, #tpu.memory_space<vmem>>, vector<16xi32>,
      tpu.vector_store %arg6[%swap3A_279], %get3A_273 {strides = array<i32>} : memref<10112xi32, #tpu.memory_space<vmem>>, vector<16xi32>,
    }
    %scan3A_79 = arith.constant 20 : i32
    %dma_start3A_80 = arith.constant 2560 : i32
    %dma_start3A_81 = tpu.memref_slice %arg7[%dma_start3A_80] : memref<10112xf32, #tpu.memory_space<vmem>> -> memref<2560xf32, #tpu.memory_space<vmem>>
    %dma_start3A_82 = arith.constant 2560 : i32
    %dma_start3A_83 = tpu.memref_slice %arg6[%dma_start3A_82] : memref<10112xi32, #tpu.memory_space<vmem>> -> memref<2560xi32, #tpu.memory_space<vmem>>
    %dma_start3A_84 = arith.constant 0 : i32
    %dma_start3A_85 = tpu.memref_slice %arg10[%dma_start3A_84] : memref<10000xf32, #tpu.memory_space<vmem_shared>> -> memref<10000xf32, #tpu.memory_space<vmem_shared>>
    tpu.enqueue_indirect_dma source(%dma_start3A_81 : memref<2560xf32, #tpu.memory_space<vmem>>) target(%dma_start3A_85 : memref<10000xf32, #tpu.memory_space<vmem_shared>>) offsets(%dma_start3A_83 : memref<2560xi32, #tpu.memory_space<vmem>>) semaphore(%arg12 : memref<!tpu.dma_semaphore, #tpu.memory_space<semaphore_mem>>) {add = true}
    %scan3A_86 = arith.constant 0 : i32
    %scan3A_87 = arith.constant 40 : i32
    %scan3A_88 = arith.constant 20 : i32
    %scan3A_89 = arith.addi %scan3A_87, %scan3A_88 : i32
    %scan3A_90 = arith.constant 1 : i32
    scf.for %scan3A_145 = %scan3A_87 to %scan3A_89 step %scan3A_90  : i32 {
      %mul3A_146 = arith.constant 128 : i32
      %mul3A_147 = arith.muli %scan3A_145, %mul3A_146 : i32
      %add3A_148 = arith.constant 0 : i32
      %add3A_149 = arith.addi %mul3A_147, %add3A_148 : i32
      %get3A = arith.constant 0 : i32
      %get3A_150 = arith.index_cast %get3A : i32 to index
      %get3A_151 = arith.index_cast %add3A_149 : i32 to index
      %get3A_152 = tpu.vector_load %arg5[%get3A_150, %get3A_151] {strides = array<i32>} : memref<2x10112xi32, #tpu.memory_space<vmem>>, vector<16xi32>,
      %get3A_153 = arith.constant 1 : i32
      %get3A_154 = arith.index_cast %get3A_153 : i32 to index
      %get3A_155 = arith.index_cast %add3A_149 : i32 to index
      %get3A_156 = tpu.vector_load %arg5[%get3A_154, %get3A_155] {strides = array<i32>} : memref<2x10112xi32, #tpu.memory_space<vmem>>, vector<16xi32>,
      %gather3A = tpu.vector_load_idx %arg8[%get3A_152] : memref<10000xf32, #tpu.memory_space<vmem>>[vector<16xi32>], vector<16xf32>,
      %gather3A_157 = tpu.vector_load_idx %arg9[%get3A_156] : memref<10000xf32, #tpu.memory_space<vmem>>[vector<16xi32>], vector<16xf32>,
      %add3A_158 = arith.addf %gather3A, %gather3A_157 : vector<16xf32>
      %swap3A = arith.index_cast %add3A_149 : i32 to index
      %swap3A_159 = tpu.vector_load %arg7[%swap3A] {strides = array<i32>} : memref<10112xf32, #tpu.memory_space<vmem>>, vector<16xf32>,
      tpu.vector_store %arg7[%swap3A], %add3A_158 {strides = array<i32>} : memref<10112xf32, #tpu.memory_space<vmem>>, vector<16xf32>,
      %swap3A_160 = arith.index_cast %add3A_149 : i32 to index
      %swap3A_161 = tpu.vector_load %arg6[%swap3A_160] {strides = array<i32>} : memref<10112xi32, #tpu.memory_space<vmem>>, vector<16xi32>,
      tpu.vector_store %arg6[%swap3A_160], %get3A_156 {strides = array<i32>} : memref<10112xi32, #tpu.memory_space<vmem>>, vector<16xi32>,
      %add3A_162 = arith.constant 16 : i32
      %add3A_163 = arith.addi %mul3A_147, %add3A_162 : i32
      %get3A_164 = arith.constant 0 : i32
      %get3A_165 = arith.index_cast %get3A_164 : i32 to index
      %get3A_166 = arith.index_cast %add3A_163 : i32 to index
      %get3A_167 = tpu.vector_load %arg5[%get3A_165, %get3A_166] {strides = array<i32>} : memref<2x10112xi32, #tpu.memory_space<vmem>>, vector<16xi32>,
      %get3A_168 = arith.constant 1 : i32
      %get3A_169 = arith.index_cast %get3A_168 : i32 to index
      %get3A_170 = arith.index_cast %add3A_163 : i32 to index
      %get3A_171 = tpu.vector_load %arg5[%get3A_169, %get3A_170] {strides = array<i32>} : memref<2x10112xi32, #tpu.memory_space<vmem>>, vector<16xi32>,
      %gather3A_172 = tpu.vector_load_idx %arg8[%get3A_167] : memref<10000xf32, #tpu.memory_space<vmem>>[vector<16xi32>], vector<16xf32>,
      %gather3A_173 = tpu.vector_load_idx %arg9[%get3A_171] : memref<10000xf32, #tpu.memory_space<vmem>>[vector<16xi32>], vector<16xf32>,
      %add3A_174 = arith.addf %gather3A_172, %gather3A_173 : vector<16xf32>
      %swap3A_175 = arith.index_cast %add3A_163 : i32 to index
      %swap3A_176 = tpu.vector_load %arg7[%swap3A_175] {strides = array<i32>} : memref<10112xf32, #tpu.memory_space<vmem>>, vector<16xf32>,
      tpu.vector_store %arg7[%swap3A_175], %add3A_174 {strides = array<i32>} : memref<10112xf32, #tpu.memory_space<vmem>>, vector<16xf32>,
      %swap3A_177 = arith.index_cast %add3A_163 : i32 to index
      %swap3A_178 = tpu.vector_load %arg6[%swap3A_177] {strides = array<i32>} : memref<10112xi32, #tpu.memory_space<vmem>>, vector<16xi32>,
      tpu.vector_store %arg6[%swap3A_177], %get3A_171 {strides = array<i32>} : memref<10112xi32, #tpu.memory_space<vmem>>, vector<16xi32>,
      %add3A_179 = arith.constant 32 : i32
      %add3A_180 = arith.addi %mul3A_147, %add3A_179 : i32
      %get3A_181 = arith.constant 0 : i32
      %get3A_182 = arith.index_cast %get3A_181 : i32 to index
      %get3A_183 = arith.index_cast %add3A_180 : i32 to index
      %get3A_184 = tpu.vector_load %arg5[%get3A_182, %get3A_183] {strides = array<i32>} : memref<2x10112xi32, #tpu.memory_space<vmem>>, vector<16xi32>,
      %get3A_185 = arith.constant 1 : i32
      %get3A_186 = arith.index_cast %get3A_185 : i32 to index
      %get3A_187 = arith.index_cast %add3A_180 : i32 to index
      %get3A_188 = tpu.vector_load %arg5[%get3A_186, %get3A_187] {strides = array<i32>} : memref<2x10112xi32, #tpu.memory_space<vmem>>, vector<16xi32>,
      %gather3A_189 = tpu.vector_load_idx %arg8[%get3A_184] : memref<10000xf32, #tpu.memory_space<vmem>>[vector<16xi32>], vector<16xf32>,
      %gather3A_190 = tpu.vector_load_idx %arg9[%get3A_188] : memref<10000xf32, #tpu.memory_space<vmem>>[vector<16xi32>], vector<16xf32>,
      %add3A_191 = arith.addf %gather3A_189, %gather3A_190 : vector<16xf32>
      %swap3A_192 = arith.index_cast %add3A_180 : i32 to index
      %swap3A_193 = tpu.vector_load %arg7[%swap3A_192] {strides = array<i32>} : memref<10112xf32, #tpu.memory_space<vmem>>, vector<16xf32>,
      tpu.vector_store %arg7[%swap3A_192], %add3A_191 {strides = array<i32>} : memref<10112xf32, #tpu.memory_space<vmem>>, vector<16xf32>,
      %swap3A_194 = arith.index_cast %add3A_180 : i32 to index
      %swap3A_195 = tpu.vector_load %arg6[%swap3A_194] {strides = array<i32>} : memref<10112xi32, #tpu.memory_space<vmem>>, vector<16xi32>,
      tpu.vector_store %arg6[%swap3A_194], %get3A_188 {strides = array<i32>} : memref<10112xi32, #tpu.memory_space<vmem>>, vector<16xi32>,
      %add3A_196 = arith.constant 48 : i32
      %add3A_197 = arith.addi %mul3A_147, %add3A_196 : i32
      %get3A_198 = arith.constant 0 : i32
      %get3A_199 = arith.index_cast %get3A_198 : i32 to index
      %get3A_200 = arith.index_cast %add3A_197 : i32 to index
      %get3A_201 = tpu.vector_load %arg5[%get3A_199, %get3A_200] {strides = array<i32>} : memref<2x10112xi32, #tpu.memory_space<vmem>>, vector<16xi32>,
      %get3A_202 = arith.constant 1 : i32
      %get3A_203 = arith.index_cast %get3A_202 : i32 to index
      %get3A_204 = arith.index_cast %add3A_197 : i32 to index
      %get3A_205 = tpu.vector_load %arg5[%get3A_203, %get3A_204] {strides = array<i32>} : memref<2x10112xi32, #tpu.memory_space<vmem>>, vector<16xi32>,
      %gather3A_206 = tpu.vector_load_idx %arg8[%get3A_201] : memref<10000xf32, #tpu.memory_space<vmem>>[vector<16xi32>], vector<16xf32>,
      %gather3A_207 = tpu.vector_load_idx %arg9[%get3A_205] : memref<10000xf32, #tpu.memory_space<vmem>>[vector<16xi32>], vector<16xf32>,
      %add3A_208 = arith.addf %gather3A_206, %gather3A_207 : vector<16xf32>
      %swap3A_209 = arith.index_cast %add3A_197 : i32 to index
      %swap3A_210 = tpu.vector_load %arg7[%swap3A_209] {strides = array<i32>} : memref<10112xf32, #tpu.memory_space<vmem>>, vector<16xf32>,
      tpu.vector_store %arg7[%swap3A_209], %add3A_208 {strides = array<i32>} : memref<10112xf32, #tpu.memory_space<vmem>>, vector<16xf32>,
      %swap3A_211 = arith.index_cast %add3A_197 : i32 to index
      %swap3A_212 = tpu.vector_load %arg6[%swap3A_211] {strides = array<i32>} : memref<10112xi32, #tpu.memory_space<vmem>>, vector<16xi32>,
      tpu.vector_store %arg6[%swap3A_211], %get3A_205 {strides = array<i32>} : memref<10112xi32, #tpu.memory_space<vmem>>, vector<16xi32>,
      %add3A_213 = arith.constant 64 : i32
      %add3A_214 = arith.addi %mul3A_147, %add3A_213 : i32
      %get3A_215 = arith.constant 0 : i32
      %get3A_216 = arith.index_cast %get3A_215 : i32 to index
      %get3A_217 = arith.index_cast %add3A_214 : i32 to index
      %get3A_218 = tpu.vector_load %arg5[%get3A_216, %get3A_217] {strides = array<i32>} : memref<2x10112xi32, #tpu.memory_space<vmem>>, vector<16xi32>,
      %get3A_219 = arith.constant 1 : i32
      %get3A_220 = arith.index_cast %get3A_219 : i32 to index
      %get3A_221 = arith.index_cast %add3A_214 : i32 to index
      %get3A_222 = tpu.vector_load %arg5[%get3A_220, %get3A_221] {strides = array<i32>} : memref<2x10112xi32, #tpu.memory_space<vmem>>, vector<16xi32>,
      %gather3A_223 = tpu.vector_load_idx %arg8[%get3A_218] : memref<10000xf32, #tpu.memory_space<vmem>>[vector<16xi32>], vector<16xf32>,
      %gather3A_224 = tpu.vector_load_idx %arg9[%get3A_222] : memref<10000xf32, #tpu.memory_space<vmem>>[vector<16xi32>], vector<16xf32>,
      %add3A_225 = arith.addf %gather3A_223, %gather3A_224 : vector<16xf32>
      %swap3A_226 = arith.index_cast %add3A_214 : i32 to index
      %swap3A_227 = tpu.vector_load %arg7[%swap3A_226] {strides = array<i32>} : memref<10112xf32, #tpu.memory_space<vmem>>, vector<16xf32>,
      tpu.vector_store %arg7[%swap3A_226], %add3A_225 {strides = array<i32>} : memref<10112xf32, #tpu.memory_space<vmem>>, vector<16xf32>,
      %swap3A_228 = arith.index_cast %add3A_214 : i32 to index
      %swap3A_229 = tpu.vector_load %arg6[%swap3A_228] {strides = array<i32>} : memref<10112xi32, #tpu.memory_space<vmem>>, vector<16xi32>,
      tpu.vector_store %arg6[%swap3A_228], %get3A_222 {strides = array<i32>} : memref<10112xi32, #tpu.memory_space<vmem>>, vector<16xi32>,
      %add3A_230 = arith.constant 80 : i32
      %add3A_231 = arith.addi %mul3A_147, %add3A_230 : i32
      %get3A_232 = arith.constant 0 : i32
      %get3A_233 = arith.index_cast %get3A_232 : i32 to index
      %get3A_234 = arith.index_cast %add3A_231 : i32 to index
      %get3A_235 = tpu.vector_load %arg5[%get3A_233, %get3A_234] {strides = array<i32>} : memref<2x10112xi32, #tpu.memory_space<vmem>>, vector<16xi32>,
      %get3A_236 = arith.constant 1 : i32
      %get3A_237 = arith.index_cast %get3A_236 : i32 to index
      %get3A_238 = arith.index_cast %add3A_231 : i32 to index
      %get3A_239 = tpu.vector_load %arg5[%get3A_237, %get3A_238] {strides = array<i32>} : memref<2x10112xi32, #tpu.memory_space<vmem>>, vector<16xi32>,
      %gather3A_240 = tpu.vector_load_idx %arg8[%get3A_235] : memref<10000xf32, #tpu.memory_space<vmem>>[vector<16xi32>], vector<16xf32>,
      %gather3A_241 = tpu.vector_load_idx %arg9[%get3A_239] : memref<10000xf32, #tpu.memory_space<vmem>>[vector<16xi32>], vector<16xf32>,
      %add3A_242 = arith.addf %gather3A_240, %gather3A_241 : vector<16xf32>
      %swap3A_243 = arith.index_cast %add3A_231 : i32 to index
      %swap3A_244 = tpu.vector_load %arg7[%swap3A_243] {strides = array<i32>} : memref<10112xf32, #tpu.memory_space<vmem>>, vector<16xf32>,
      tpu.vector_store %arg7[%swap3A_243], %add3A_242 {strides = array<i32>} : memref<10112xf32, #tpu.memory_space<vmem>>, vector<16xf32>,
      %swap3A_245 = arith.index_cast %add3A_231 : i32 to index
      %swap3A_246 = tpu.vector_load %arg6[%swap3A_245] {strides = array<i32>} : memref<10112xi32, #tpu.memory_space<vmem>>, vector<16xi32>,
      tpu.vector_store %arg6[%swap3A_245], %get3A_239 {strides = array<i32>} : memref<10112xi32, #tpu.memory_space<vmem>>, vector<16xi32>,
      %add3A_247 = arith.constant 96 : i32
      %add3A_248 = arith.addi %mul3A_147, %add3A_247 : i32
      %get3A_249 = arith.constant 0 : i32
      %get3A_250 = arith.index_cast %get3A_249 : i32 to index
      %get3A_251 = arith.index_cast %add3A_248 : i32 to index
      %get3A_252 = tpu.vector_load %arg5[%get3A_250, %get3A_251] {strides = array<i32>} : memref<2x10112xi32, #tpu.memory_space<vmem>>, vector<16xi32>,
      %get3A_253 = arith.constant 1 : i32
      %get3A_254 = arith.index_cast %get3A_253 : i32 to index
      %get3A_255 = arith.index_cast %add3A_248 : i32 to index
      %get3A_256 = tpu.vector_load %arg5[%get3A_254, %get3A_255] {strides = array<i32>} : memref<2x10112xi32, #tpu.memory_space<vmem>>, vector<16xi32>,
      %gather3A_257 = tpu.vector_load_idx %arg8[%get3A_252] : memref<10000xf32, #tpu.memory_space<vmem>>[vector<16xi32>], vector<16xf32>,
      %gather3A_258 = tpu.vector_load_idx %arg9[%get3A_256] : memref<10000xf32, #tpu.memory_space<vmem>>[vector<16xi32>], vector<16xf32>,
      %add3A_259 = arith.addf %gather3A_257, %gather3A_258 : vector<16xf32>
      %swap3A_260 = arith.index_cast %add3A_248 : i32 to index
      %swap3A_261 = tpu.vector_load %arg7[%swap3A_260] {strides = array<i32>} : memref<10112xf32, #tpu.memory_space<vmem>>, vector<16xf32>,
      tpu.vector_store %arg7[%swap3A_260], %add3A_259 {strides = array<i32>} : memref<10112xf32, #tpu.memory_space<vmem>>, vector<16xf32>,
      %swap3A_262 = arith.index_cast %add3A_248 : i32 to index
      %swap3A_263 = tpu.vector_load %arg6[%swap3A_262] {strides = array<i32>} : memref<10112xi32, #tpu.memory_space<vmem>>, vector<16xi32>,
      tpu.vector_store %arg6[%swap3A_262], %get3A_256 {strides = array<i32>} : memref<10112xi32, #tpu.memory_space<vmem>>, vector<16xi32>,
      %add3A_264 = arith.constant 112 : i32
      %add3A_265 = arith.addi %mul3A_147, %add3A_264 : i32
      %get3A_266 = arith.constant 0 : i32
      %get3A_267 = arith.index_cast %get3A_266 : i32 to index
      %get3A_268 = arith.index_cast %add3A_265 : i32 to index
      %get3A_269 = tpu.vector_load %arg5[%get3A_267, %get3A_268] {strides = array<i32>} : memref<2x10112xi32, #tpu.memory_space<vmem>>, vector<16xi32>,
      %get3A_270 = arith.constant 1 : i32
      %get3A_271 = arith.index_cast %get3A_270 : i32 to index
      %get3A_272 = arith.index_cast %add3A_265 : i32 to index
      %get3A_273 = tpu.vector_load %arg5[%get3A_271, %get3A_272] {strides = array<i32>} : memref<2x10112xi32, #tpu.memory_space<vmem>>, vector<16xi32>,
      %gather3A_274 = tpu.vector_load_idx %arg8[%get3A_269] : memref<10000xf32, #tpu.memory_space<vmem>>[vector<16xi32>], vector<16xf32>,
      %gather3A_275 = tpu.vector_load_idx %arg9[%get3A_273] : memref<10000xf32, #tpu.memory_space<vmem>>[vector<16xi32>], vector<16xf32>,
      %add3A_276 = arith.addf %gather3A_274, %gather3A_275 : vector<16xf32>
      %swap3A_277 = arith.index_cast %add3A_265 : i32 to index
      %swap3A_278 = tpu.vector_load %arg7[%swap3A_277] {strides = array<i32>} : memref<10112xf32, #tpu.memory_space<vmem>>, vector<16xf32>,
      tpu.vector_store %arg7[%swap3A_277], %add3A_276 {strides = array<i32>} : memref<10112xf32, #tpu.memory_space<vmem>>, vector<16xf32>,
      %swap3A_279 = arith.index_cast %add3A_265 : i32 to index
      %swap3A_280 = tpu.vector_load %arg6[%swap3A_279] {strides = array<i32>} : memref<10112xi32, #tpu.memory_space<vmem>>, vector<16xi32>,
      tpu.vector_store %arg6[%swap3A_279], %get3A_273 {strides = array<i32>} : memref<10112xi32, #tpu.memory_space<vmem>>, vector<16xi32>,
    }
    %scan3A_91 = arith.constant 20 : i32
    %dma_start3A_92 = arith.constant 5120 : i32
    %dma_start3A_93 = tpu.memref_slice %arg7[%dma_start3A_92] : memref<10112xf32, #tpu.memory_space<vmem>> -> memref<2560xf32, #tpu.memory_space<vmem>>
    %dma_start3A_94 = arith.constant 5120 : i32
    %dma_start3A_95 = tpu.memref_slice %arg6[%dma_start3A_94] : memref<10112xi32, #tpu.memory_space<vmem>> -> memref<2560xi32, #tpu.memory_space<vmem>>
    %dma_start3A_96 = arith.constant 0 : i32
    %dma_start3A_97 = tpu.memref_slice %arg10[%dma_start3A_96] : memref<10000xf32, #tpu.memory_space<vmem_shared>> -> memref<10000xf32, #tpu.memory_space<vmem_shared>>
    tpu.enqueue_indirect_dma source(%dma_start3A_93 : memref<2560xf32, #tpu.memory_space<vmem>>) target(%dma_start3A_97 : memref<10000xf32, #tpu.memory_space<vmem_shared>>) offsets(%dma_start3A_95 : memref<2560xi32, #tpu.memory_space<vmem>>) semaphore(%arg12 : memref<!tpu.dma_semaphore, #tpu.memory_space<semaphore_mem>>) {add = true}
    %scan3A_98 = arith.constant 0 : i32
    %scan3A_99 = arith.constant 60 : i32
    %scan3A_100 = arith.constant 19 : i32
    %scan3A_101 = arith.addi %scan3A_99, %scan3A_100 : i32
    %scan3A_102 = arith.constant 1 : i32
    scf.for %scan3A_145 = %scan3A_99 to %scan3A_101 step %scan3A_102  : i32 {
      %mul3A_146 = arith.constant 128 : i32
      %mul3A_147 = arith.muli %scan3A_145, %mul3A_146 : i32
      %add3A_148 = arith.constant 0 : i32
      %add3A_149 = arith.addi %mul3A_147, %add3A_148 : i32
      %get3A = arith.constant 0 : i32
      %get3A_150 = arith.index_cast %get3A : i32 to index
      %get3A_151 = arith.index_cast %add3A_149 : i32 to index
      %get3A_152 = tpu.vector_load %arg5[%get3A_150, %get3A_151] {strides = array<i32>} : memref<2x10112xi32, #tpu.memory_space<vmem>>, vector<16xi32>,
      %get3A_153 = arith.constant 1 : i32
      %get3A_154 = arith.index_cast %get3A_153 : i32 to index
      %get3A_155 = arith.index_cast %add3A_149 : i32 to index
      %get3A_156 = tpu.vector_load %arg5[%get3A_154, %get3A_155] {strides = array<i32>} : memref<2x10112xi32, #tpu.memory_space<vmem>>, vector<16xi32>,
      %gather3A = tpu.vector_load_idx %arg8[%get3A_152] : memref<10000xf32, #tpu.memory_space<vmem>>[vector<16xi32>], vector<16xf32>,
      %gather3A_157 = tpu.vector_load_idx %arg9[%get3A_156] : memref<10000xf32, #tpu.memory_space<vmem>>[vector<16xi32>], vector<16xf32>,
      %add3A_158 = arith.addf %gather3A, %gather3A_157 : vector<16xf32>
      %swap3A = arith.index_cast %add3A_149 : i32 to index
      %swap3A_159 = tpu.vector_load %arg7[%swap3A] {strides = array<i32>} : memref<10112xf32, #tpu.memory_space<vmem>>, vector<16xf32>,
      tpu.vector_store %arg7[%swap3A], %add3A_158 {strides = array<i32>} : memref<10112xf32, #tpu.memory_space<vmem>>, vector<16xf32>,
      %swap3A_160 = arith.index_cast %add3A_149 : i32 to index
      %swap3A_161 = tpu.vector_load %arg6[%swap3A_160] {strides = array<i32>} : memref<10112xi32, #tpu.memory_space<vmem>>, vector<16xi32>,
      tpu.vector_store %arg6[%swap3A_160], %get3A_156 {strides = array<i32>} : memref<10112xi32, #tpu.memory_space<vmem>>, vector<16xi32>,
      %add3A_162 = arith.constant 16 : i32
      %add3A_163 = arith.addi %mul3A_147, %add3A_162 : i32
      %get3A_164 = arith.constant 0 : i32
      %get3A_165 = arith.index_cast %get3A_164 : i32 to index
      %get3A_166 = arith.index_cast %add3A_163 : i32 to index
      %get3A_167 = tpu.vector_load %arg5[%get3A_165, %get3A_166] {strides = array<i32>} : memref<2x10112xi32, #tpu.memory_space<vmem>>, vector<16xi32>,
      %get3A_168 = arith.constant 1 : i32
      %get3A_169 = arith.index_cast %get3A_168 : i32 to index
      %get3A_170 = arith.index_cast %add3A_163 : i32 to index
      %get3A_171 = tpu.vector_load %arg5[%get3A_169, %get3A_170] {strides = array<i32>} : memref<2x10112xi32, #tpu.memory_space<vmem>>, vector<16xi32>,
      %gather3A_172 = tpu.vector_load_idx %arg8[%get3A_167] : memref<10000xf32, #tpu.memory_space<vmem>>[vector<16xi32>], vector<16xf32>,
      %gather3A_173 = tpu.vector_load_idx %arg9[%get3A_171] : memref<10000xf32, #tpu.memory_space<vmem>>[vector<16xi32>], vector<16xf32>,
      %add3A_174 = arith.addf %gather3A_172, %gather3A_173 : vector<16xf32>
      %swap3A_175 = arith.index_cast %add3A_163 : i32 to index
      %swap3A_176 = tpu.vector_load %arg7[%swap3A_175] {strides = array<i32>} : memref<10112xf32, #tpu.memory_space<vmem>>, vector<16xf32>,
      tpu.vector_store %arg7[%swap3A_175], %add3A_174 {strides = array<i32>} : memref<10112xf32, #tpu.memory_space<vmem>>, vector<16xf32>,
      %swap3A_177 = arith.index_cast %add3A_163 : i32 to index
      %swap3A_178 = tpu.vector_load %arg6[%swap3A_177] {strides = array<i32>} : memref<10112xi32, #tpu.memory_space<vmem>>, vector<16xi32>,
      tpu.vector_store %arg6[%swap3A_177], %get3A_171 {strides = array<i32>} : memref<10112xi32, #tpu.memory_space<vmem>>, vector<16xi32>,
      %add3A_179 = arith.constant 32 : i32
      %add3A_180 = arith.addi %mul3A_147, %add3A_179 : i32
      %get3A_181 = arith.constant 0 : i32
      %get3A_182 = arith.index_cast %get3A_181 : i32 to index
      %get3A_183 = arith.index_cast %add3A_180 : i32 to index
      %get3A_184 = tpu.vector_load %arg5[%get3A_182, %get3A_183] {strides = array<i32>} : memref<2x10112xi32, #tpu.memory_space<vmem>>, vector<16xi32>,
      %get3A_185 = arith.constant 1 : i32
      %get3A_186 = arith.index_cast %get3A_185 : i32 to index
      %get3A_187 = arith.index_cast %add3A_180 : i32 to index
      %get3A_188 = tpu.vector_load %arg5[%get3A_186, %get3A_187] {strides = array<i32>} : memref<2x10112xi32, #tpu.memory_space<vmem>>, vector<16xi32>,
      %gather3A_189 = tpu.vector_load_idx %arg8[%get3A_184] : memref<10000xf32, #tpu.memory_space<vmem>>[vector<16xi32>], vector<16xf32>,
      %gather3A_190 = tpu.vector_load_idx %arg9[%get3A_188] : memref<10000xf32, #tpu.memory_space<vmem>>[vector<16xi32>], vector<16xf32>,
      %add3A_191 = arith.addf %gather3A_189, %gather3A_190 : vector<16xf32>
      %swap3A_192 = arith.index_cast %add3A_180 : i32 to index
      %swap3A_193 = tpu.vector_load %arg7[%swap3A_192] {strides = array<i32>} : memref<10112xf32, #tpu.memory_space<vmem>>, vector<16xf32>,
      tpu.vector_store %arg7[%swap3A_192], %add3A_191 {strides = array<i32>} : memref<10112xf32, #tpu.memory_space<vmem>>, vector<16xf32>,
      %swap3A_194 = arith.index_cast %add3A_180 : i32 to index
      %swap3A_195 = tpu.vector_load %arg6[%swap3A_194] {strides = array<i32>} : memref<10112xi32, #tpu.memory_space<vmem>>, vector<16xi32>,
      tpu.vector_store %arg6[%swap3A_194], %get3A_188 {strides = array<i32>} : memref<10112xi32, #tpu.memory_space<vmem>>, vector<16xi32>,
      %add3A_196 = arith.constant 48 : i32
      %add3A_197 = arith.addi %mul3A_147, %add3A_196 : i32
      %get3A_198 = arith.constant 0 : i32
      %get3A_199 = arith.index_cast %get3A_198 : i32 to index
      %get3A_200 = arith.index_cast %add3A_197 : i32 to index
      %get3A_201 = tpu.vector_load %arg5[%get3A_199, %get3A_200] {strides = array<i32>} : memref<2x10112xi32, #tpu.memory_space<vmem>>, vector<16xi32>,
      %get3A_202 = arith.constant 1 : i32
      %get3A_203 = arith.index_cast %get3A_202 : i32 to index
      %get3A_204 = arith.index_cast %add3A_197 : i32 to index
      %get3A_205 = tpu.vector_load %arg5[%get3A_203, %get3A_204] {strides = array<i32>} : memref<2x10112xi32, #tpu.memory_space<vmem>>, vector<16xi32>,
      %gather3A_206 = tpu.vector_load_idx %arg8[%get3A_201] : memref<10000xf32, #tpu.memory_space<vmem>>[vector<16xi32>], vector<16xf32>,
      %gather3A_207 = tpu.vector_load_idx %arg9[%get3A_205] : memref<10000xf32, #tpu.memory_space<vmem>>[vector<16xi32>], vector<16xf32>,
      %add3A_208 = arith.addf %gather3A_206, %gather3A_207 : vector<16xf32>
      %swap3A_209 = arith.index_cast %add3A_197 : i32 to index
      %swap3A_210 = tpu.vector_load %arg7[%swap3A_209] {strides = array<i32>} : memref<10112xf32, #tpu.memory_space<vmem>>, vector<16xf32>,
      tpu.vector_store %arg7[%swap3A_209], %add3A_208 {strides = array<i32>} : memref<10112xf32, #tpu.memory_space<vmem>>, vector<16xf32>,
      %swap3A_211 = arith.index_cast %add3A_197 : i32 to index
      %swap3A_212 = tpu.vector_load %arg6[%swap3A_211] {strides = array<i32>} : memref<10112xi32, #tpu.memory_space<vmem>>, vector<16xi32>,
      tpu.vector_store %arg6[%swap3A_211], %get3A_205 {strides = array<i32>} : memref<10112xi32, #tpu.memory_space<vmem>>, vector<16xi32>,
      %add3A_213 = arith.constant 64 : i32
      %add3A_214 = arith.addi %mul3A_147, %add3A_213 : i32
      %get3A_215 = arith.constant 0 : i32
      %get3A_216 = arith.index_cast %get3A_215 : i32 to index
      %get3A_217 = arith.index_cast %add3A_214 : i32 to index
      %get3A_218 = tpu.vector_load %arg5[%get3A_216, %get3A_217] {strides = array<i32>} : memref<2x10112xi32, #tpu.memory_space<vmem>>, vector<16xi32>,
      %get3A_219 = arith.constant 1 : i32
      %get3A_220 = arith.index_cast %get3A_219 : i32 to index
      %get3A_221 = arith.index_cast %add3A_214 : i32 to index
      %get3A_222 = tpu.vector_load %arg5[%get3A_220, %get3A_221] {strides = array<i32>} : memref<2x10112xi32, #tpu.memory_space<vmem>>, vector<16xi32>,
      %gather3A_223 = tpu.vector_load_idx %arg8[%get3A_218] : memref<10000xf32, #tpu.memory_space<vmem>>[vector<16xi32>], vector<16xf32>,
      %gather3A_224 = tpu.vector_load_idx %arg9[%get3A_222] : memref<10000xf32, #tpu.memory_space<vmem>>[vector<16xi32>], vector<16xf32>,
      %add3A_225 = arith.addf %gather3A_223, %gather3A_224 : vector<16xf32>
      %swap3A_226 = arith.index_cast %add3A_214 : i32 to index
      %swap3A_227 = tpu.vector_load %arg7[%swap3A_226] {strides = array<i32>} : memref<10112xf32, #tpu.memory_space<vmem>>, vector<16xf32>,
      tpu.vector_store %arg7[%swap3A_226], %add3A_225 {strides = array<i32>} : memref<10112xf32, #tpu.memory_space<vmem>>, vector<16xf32>,
      %swap3A_228 = arith.index_cast %add3A_214 : i32 to index
      %swap3A_229 = tpu.vector_load %arg6[%swap3A_228] {strides = array<i32>} : memref<10112xi32, #tpu.memory_space<vmem>>, vector<16xi32>,
      tpu.vector_store %arg6[%swap3A_228], %get3A_222 {strides = array<i32>} : memref<10112xi32, #tpu.memory_space<vmem>>, vector<16xi32>,
      %add3A_230 = arith.constant 80 : i32
      %add3A_231 = arith.addi %mul3A_147, %add3A_230 : i32
      %get3A_232 = arith.constant 0 : i32
      %get3A_233 = arith.index_cast %get3A_232 : i32 to index
      %get3A_234 = arith.index_cast %add3A_231 : i32 to index
      %get3A_235 = tpu.vector_load %arg5[%get3A_233, %get3A_234] {strides = array<i32>} : memref<2x10112xi32, #tpu.memory_space<vmem>>, vector<16xi32>,
      %get3A_236 = arith.constant 1 : i32
      %get3A_237 = arith.index_cast %get3A_236 : i32 to index
      %get3A_238 = arith.index_cast %add3A_231 : i32 to index
      %get3A_239 = tpu.vector_load %arg5[%get3A_237, %get3A_238] {strides = array<i32>} : memref<2x10112xi32, #tpu.memory_space<vmem>>, vector<16xi32>,
      %gather3A_240 = tpu.vector_load_idx %arg8[%get3A_235] : memref<10000xf32, #tpu.memory_space<vmem>>[vector<16xi32>], vector<16xf32>,
      %gather3A_241 = tpu.vector_load_idx %arg9[%get3A_239] : memref<10000xf32, #tpu.memory_space<vmem>>[vector<16xi32>], vector<16xf32>,
      %add3A_242 = arith.addf %gather3A_240, %gather3A_241 : vector<16xf32>
      %swap3A_243 = arith.index_cast %add3A_231 : i32 to index
      %swap3A_244 = tpu.vector_load %arg7[%swap3A_243] {strides = array<i32>} : memref<10112xf32, #tpu.memory_space<vmem>>, vector<16xf32>,
      tpu.vector_store %arg7[%swap3A_243], %add3A_242 {strides = array<i32>} : memref<10112xf32, #tpu.memory_space<vmem>>, vector<16xf32>,
      %swap3A_245 = arith.index_cast %add3A_231 : i32 to index
      %swap3A_246 = tpu.vector_load %arg6[%swap3A_245] {strides = array<i32>} : memref<10112xi32, #tpu.memory_space<vmem>>, vector<16xi32>,
      tpu.vector_store %arg6[%swap3A_245], %get3A_239 {strides = array<i32>} : memref<10112xi32, #tpu.memory_space<vmem>>, vector<16xi32>,
      %add3A_247 = arith.constant 96 : i32
      %add3A_248 = arith.addi %mul3A_147, %add3A_247 : i32
      %get3A_249 = arith.constant 0 : i32
      %get3A_250 = arith.index_cast %get3A_249 : i32 to index
      %get3A_251 = arith.index_cast %add3A_248 : i32 to index
      %get3A_252 = tpu.vector_load %arg5[%get3A_250, %get3A_251] {strides = array<i32>} : memref<2x10112xi32, #tpu.memory_space<vmem>>, vector<16xi32>,
      %get3A_253 = arith.constant 1 : i32
      %get3A_254 = arith.index_cast %get3A_253 : i32 to index
      %get3A_255 = arith.index_cast %add3A_248 : i32 to index
      %get3A_256 = tpu.vector_load %arg5[%get3A_254, %get3A_255] {strides = array<i32>} : memref<2x10112xi32, #tpu.memory_space<vmem>>, vector<16xi32>,
      %gather3A_257 = tpu.vector_load_idx %arg8[%get3A_252] : memref<10000xf32, #tpu.memory_space<vmem>>[vector<16xi32>], vector<16xf32>,
      %gather3A_258 = tpu.vector_load_idx %arg9[%get3A_256] : memref<10000xf32, #tpu.memory_space<vmem>>[vector<16xi32>], vector<16xf32>,
      %add3A_259 = arith.addf %gather3A_257, %gather3A_258 : vector<16xf32>
      %swap3A_260 = arith.index_cast %add3A_248 : i32 to index
      %swap3A_261 = tpu.vector_load %arg7[%swap3A_260] {strides = array<i32>} : memref<10112xf32, #tpu.memory_space<vmem>>, vector<16xf32>,
      tpu.vector_store %arg7[%swap3A_260], %add3A_259 {strides = array<i32>} : memref<10112xf32, #tpu.memory_space<vmem>>, vector<16xf32>,
      %swap3A_262 = arith.index_cast %add3A_248 : i32 to index
      %swap3A_263 = tpu.vector_load %arg6[%swap3A_262] {strides = array<i32>} : memref<10112xi32, #tpu.memory_space<vmem>>, vector<16xi32>,
      tpu.vector_store %arg6[%swap3A_262], %get3A_256 {strides = array<i32>} : memref<10112xi32, #tpu.memory_space<vmem>>, vector<16xi32>,
      %add3A_264 = arith.constant 112 : i32
      %add3A_265 = arith.addi %mul3A_147, %add3A_264 : i32
      %get3A_266 = arith.constant 0 : i32
      %get3A_267 = arith.index_cast %get3A_266 : i32 to index
      %get3A_268 = arith.index_cast %add3A_265 : i32 to index
      %get3A_269 = tpu.vector_load %arg5[%get3A_267, %get3A_268] {strides = array<i32>} : memref<2x10112xi32, #tpu.memory_space<vmem>>, vector<16xi32>,
      %get3A_270 = arith.constant 1 : i32
      %get3A_271 = arith.index_cast %get3A_270 : i32 to index
      %get3A_272 = arith.index_cast %add3A_265 : i32 to index
      %get3A_273 = tpu.vector_load %arg5[%get3A_271, %get3A_272] {strides = array<i32>} : memref<2x10112xi32, #tpu.memory_space<vmem>>, vector<16xi32>,
      %gather3A_274 = tpu.vector_load_idx %arg8[%get3A_269] : memref<10000xf32, #tpu.memory_space<vmem>>[vector<16xi32>], vector<16xf32>,
      %gather3A_275 = tpu.vector_load_idx %arg9[%get3A_273] : memref<10000xf32, #tpu.memory_space<vmem>>[vector<16xi32>], vector<16xf32>,
      %add3A_276 = arith.addf %gather3A_274, %gather3A_275 : vector<16xf32>
      %swap3A_277 = arith.index_cast %add3A_265 : i32 to index
      %swap3A_278 = tpu.vector_load %arg7[%swap3A_277] {strides = array<i32>} : memref<10112xf32, #tpu.memory_space<vmem>>, vector<16xf32>,
      tpu.vector_store %arg7[%swap3A_277], %add3A_276 {strides = array<i32>} : memref<10112xf32, #tpu.memory_space<vmem>>, vector<16xf32>,
      %swap3A_279 = arith.index_cast %add3A_265 : i32 to index
      %swap3A_280 = tpu.vector_load %arg6[%swap3A_279] {strides = array<i32>} : memref<10112xi32, #tpu.memory_space<vmem>>, vector<16xi32>,
      tpu.vector_store %arg6[%swap3A_279], %get3A_273 {strides = array<i32>} : memref<10112xi32, #tpu.memory_space<vmem>>, vector<16xi32>,
    }
    %scan3A_103 = arith.constant 19 : i32
    %not3A_104 = arith.constant true
    %not3A_105 = arith.xori %lt3A_1, %not3A_104 : i1
    %convert_element_type3A_106 = arith.extui %not3A_105 : i1 to i32
    %cond3A_107 = arith.constant 0 : i32
    %cond3A_108 = arith.cmpi ne, %convert_element_type3A_106, %cond3A_107 : i32
    scf.if %cond3A_108 {
      %broadcast_in_dim3A = arith.constant 0.000000e+00 : f32
      %broadcast_in_dim3A_145 = vector.broadcast %broadcast_in_dim3A : f32 to vector<16xf32>
      %swap3A = arith.constant 9984 : index
      %swap3A_146 = tpu.vector_load %arg7[%swap3A] {strides = array<i32>} : memref<10112xf32, #tpu.memory_space<vmem>>, vector<16xf32>,
      tpu.vector_store %arg7[%swap3A], %broadcast_in_dim3A_145 {strides = array<i32>} : memref<10112xf32, #tpu.memory_space<vmem>>, vector<16xf32>,
      %swap3A_147 = arith.constant 10000 : index
      %swap3A_148 = tpu.vector_load %arg7[%swap3A_147] {strides = array<i32>} : memref<10112xf32, #tpu.memory_space<vmem>>, vector<16xf32>,
      tpu.vector_store %arg7[%swap3A_147], %broadcast_in_dim3A_145 {strides = array<i32>} : memref<10112xf32, #tpu.memory_space<vmem>>, vector<16xf32>,
      %swap3A_149 = arith.constant 10016 : index
      %swap3A_150 = tpu.vector_load %arg7[%swap3A_149] {strides = array<i32>} : memref<10112xf32, #tpu.memory_space<vmem>>, vector<16xf32>,
      tpu.vector_store %arg7[%swap3A_149], %broadcast_in_dim3A_145 {strides = array<i32>} : memref<10112xf32, #tpu.memory_space<vmem>>, vector<16xf32>,
      %swap3A_151 = arith.constant 10032 : index
      %swap3A_152 = tpu.vector_load %arg7[%swap3A_151] {strides = array<i32>} : memref<10112xf32, #tpu.memory_space<vmem>>, vector<16xf32>,
      tpu.vector_store %arg7[%swap3A_151], %broadcast_in_dim3A_145 {strides = array<i32>} : memref<10112xf32, #tpu.memory_space<vmem>>, vector<16xf32>,
      %swap3A_153 = arith.constant 10048 : index
      %swap3A_154 = tpu.vector_load %arg7[%swap3A_153] {strides = array<i32>} : memref<10112xf32, #tpu.memory_space<vmem>>, vector<16xf32>,
      tpu.vector_store %arg7[%swap3A_153], %broadcast_in_dim3A_145 {strides = array<i32>} : memref<10112xf32, #tpu.memory_space<vmem>>, vector<16xf32>,
      %swap3A_155 = arith.constant 10064 : index
      %swap3A_156 = tpu.vector_load %arg7[%swap3A_155] {strides = array<i32>} : memref<10112xf32, #tpu.memory_space<vmem>>, vector<16xf32>,
      tpu.vector_store %arg7[%swap3A_155], %broadcast_in_dim3A_145 {strides = array<i32>} : memref<10112xf32, #tpu.memory_space<vmem>>, vector<16xf32>,
      %swap3A_157 = arith.constant 10080 : index
      %swap3A_158 = tpu.vector_load %arg7[%swap3A_157] {strides = array<i32>} : memref<10112xf32, #tpu.memory_space<vmem>>, vector<16xf32>,
      tpu.vector_store %arg7[%swap3A_157], %broadcast_in_dim3A_145 {strides = array<i32>} : memref<10112xf32, #tpu.memory_space<vmem>>, vector<16xf32>,
      %swap3A_159 = arith.constant 10096 : index
      %swap3A_160 = tpu.vector_load %arg7[%swap3A_159] {strides = array<i32>} : memref<10112xf32, #tpu.memory_space<vmem>>, vector<16xf32>,
      tpu.vector_store %arg7[%swap3A_159], %broadcast_in_dim3A_145 {strides = array<i32>} : memref<10112xf32, #tpu.memory_space<vmem>>, vector<16xf32>,
    } else {
    }
    %dma_start3A_109 = arith.constant 7680 : i32
    %dma_start3A_110 = tpu.memref_slice %arg7[%dma_start3A_109] : memref<10112xf32, #tpu.memory_space<vmem>> -> memref<2432xf32, #tpu.memory_space<vmem>>
    %dma_start3A_111 = arith.constant 7680 : i32
    %dma_start3A_112 = tpu.memref_slice %arg6[%dma_start3A_111] : memref<10112xi32, #tpu.memory_space<vmem>> -> memref<2432xi32, #tpu.memory_space<vmem>>
    %dma_start3A_113 = arith.constant 0 : i32
    %dma_start3A_114 = tpu.memref_slice %arg10[%dma_start3A_113] : memref<10000xf32, #tpu.memory_space<vmem_shared>> -> memref<10000xf32, #tpu.memory_space<vmem_shared>>
    tpu.enqueue_indirect_dma source(%dma_start3A_110 : memref<2432xf32, #tpu.memory_space<vmem>>) target(%dma_start3A_114 : memref<10000xf32, #tpu.memory_space<vmem_shared>>) offsets(%dma_start3A_112 : memref<2432xi32, #tpu.memory_space<vmem>>) semaphore(%arg12 : memref<!tpu.dma_semaphore, #tpu.memory_space<semaphore_mem>>) {add = true}
    %dma_wait3A_115 = arith.constant 0 : i32
    %dma_wait3A_116 = tpu.memref_slice %arg7[%dma_wait3A_115] : memref<10112xf32, #tpu.memory_space<vmem>> -> memref<2560xf32, #tpu.memory_space<vmem>>
    %dma_wait3A_117 = arith.constant 0 : i32
    %dma_wait3A_118 = tpu.memref_slice %arg6[%dma_wait3A_117] : memref<10112xi32, #tpu.memory_space<vmem>> -> memref<2560xi32, #tpu.memory_space<vmem>>
    %dma_wait3A_119 = arith.constant 0 : i32
    %dma_wait3A_120 = tpu.memref_slice %arg10[%dma_wait3A_119] : memref<10000xf32, #tpu.memory_space<vmem_shared>> -> memref<10000xf32, #tpu.memory_space<vmem_shared>>
    tpu.wait_indirect_dma semaphore(%arg12 : memref<!tpu.dma_semaphore, #tpu.memory_space<semaphore_mem>>) src(%dma_wait3A_116 : memref<2560xf32, #tpu.memory_space<vmem>>) dst(%dma_wait3A_120 : memref<10000xf32, #tpu.memory_space<vmem_shared>>)
    %dma_wait3A_121 = arith.constant 2560 : i32
    %dma_wait3A_122 = tpu.memref_slice %arg7[%dma_wait3A_121] : memref<10112xf32, #tpu.memory_space<vmem>> -> memref<2560xf32, #tpu.memory_space<vmem>>
    %dma_wait3A_123 = arith.constant 2560 : i32
    %dma_wait3A_124 = tpu.memref_slice %arg6[%dma_wait3A_123] : memref<10112xi32, #tpu.memory_space<vmem>> -> memref<2560xi32, #tpu.memory_space<vmem>>
    %dma_wait3A_125 = arith.constant 0 : i32
    %dma_wait3A_126 = tpu.memref_slice %arg10[%dma_wait3A_125] : memref<10000xf32, #tpu.memory_space<vmem_shared>> -> memref<10000xf32, #tpu.memory_space<vmem_shared>>
    tpu.wait_indirect_dma semaphore(%arg12 : memref<!tpu.dma_semaphore, #tpu.memory_space<semaphore_mem>>) src(%dma_wait3A_122 : memref<2560xf32, #tpu.memory_space<vmem>>) dst(%dma_wait3A_126 : memref<10000xf32, #tpu.memory_space<vmem_shared>>)
    %dma_wait3A_127 = arith.constant 5120 : i32
    %dma_wait3A_128 = tpu.memref_slice %arg7[%dma_wait3A_127] : memref<10112xf32, #tpu.memory_space<vmem>> -> memref<2560xf32, #tpu.memory_space<vmem>>
    %dma_wait3A_129 = arith.constant 5120 : i32
    %dma_wait3A_130 = tpu.memref_slice %arg6[%dma_wait3A_129] : memref<10112xi32, #tpu.memory_space<vmem>> -> memref<2560xi32, #tpu.memory_space<vmem>>
    %dma_wait3A_131 = arith.constant 0 : i32
    %dma_wait3A_132 = tpu.memref_slice %arg10[%dma_wait3A_131] : memref<10000xf32, #tpu.memory_space<vmem_shared>> -> memref<10000xf32, #tpu.memory_space<vmem_shared>>
    tpu.wait_indirect_dma semaphore(%arg12 : memref<!tpu.dma_semaphore, #tpu.memory_space<semaphore_mem>>) src(%dma_wait3A_128 : memref<2560xf32, #tpu.memory_space<vmem>>) dst(%dma_wait3A_132 : memref<10000xf32, #tpu.memory_space<vmem_shared>>)
    %dma_wait3A_133 = arith.constant 7680 : i32
    %dma_wait3A_134 = tpu.memref_slice %arg7[%dma_wait3A_133] : memref<10112xf32, #tpu.memory_space<vmem>> -> memref<2432xf32, #tpu.memory_space<vmem>>
    %dma_wait3A_135 = arith.constant 7680 : i32
    %dma_wait3A_136 = tpu.memref_slice %arg6[%dma_wait3A_135] : memref<10112xi32, #tpu.memory_space<vmem>> -> memref<2432xi32, #tpu.memory_space<vmem>>
    %dma_wait3A_137 = arith.constant 0 : i32
    %dma_wait3A_138 = tpu.memref_slice %arg10[%dma_wait3A_137] : memref<10000xf32, #tpu.memory_space<vmem_shared>> -> memref<10000xf32, #tpu.memory_space<vmem_shared>>
    tpu.wait_indirect_dma semaphore(%arg12 : memref<!tpu.dma_semaphore, #tpu.memory_space<semaphore_mem>>) src(%dma_wait3A_134 : memref<2432xf32, #tpu.memory_space<vmem>>) dst(%dma_wait3A_138 : memref<10000xf32, #tpu.memory_space<vmem_shared>>)
    %barrier3A_139 = arith.constant 0 : index
    tpu.barrier barrier_id(%barrier3A_139)
    %eq3A_140 = arith.constant 0 : i32
    %eq3A_141 = arith.cmpi eq, %arg1, %eq3A_140 : i32
    %convert_element_type3A_142 = arith.extui %eq3A_141 : i1 to i32
    %cond3A_143 = arith.constant 0 : i32
    %cond3A_144 = arith.cmpi ne, %convert_element_type3A_142, %cond3A_143 : i32
    scf.if %cond3A_144 {
      "tpu.region"() ({
        %run_scoped3A = tpu.sem_alloc : memref<!tpu.dma_semaphore, #tpu.memory_space<semaphore_mem>>
        %dma_start3A_145 = arith.constant 0 : i32
        %dma_start3A_146 = tpu.memref_slice %arg4[%arg0, %dma_start3A_145] : memref<2x10000xf32, #tpu.memory_space<hbm>> -> memref<1x10000xf32, #tpu.memory_space<hbm>>
        %dma_start3A_147 = tpu.memref_squeeze %dma_start3A_146 : memref<1x10000xf32, #tpu.memory_space<hbm>> -> memref<10000xf32, #tpu.memory_space<hbm>>
        tpu.enqueue_dma source(%arg10 : memref<10000xf32, #tpu.memory_space<vmem_shared>>) target(%dma_start3A_147 : memref<10000xf32, #tpu.memory_space<hbm>>) target_semaphore(%run_scoped3A : memref<!tpu.dma_semaphore, #tpu.memory_space<semaphore_mem>>)
        %dma_wait3A_148 = arith.constant 0 : i32
        %dma_wait3A_149 = tpu.memref_slice %arg4[%arg0, %dma_wait3A_148] : memref<2x10000xf32, #tpu.memory_space<hbm>> -> memref<1x10000xf32, #tpu.memory_space<hbm>>
        %dma_wait3A_150 = tpu.memref_squeeze %dma_wait3A_149 : memref<1x10000xf32, #tpu.memory_space<hbm>> -> memref<10000xf32, #tpu.memory_space<hbm>>
        tpu.wait_dma2 semaphore(%run_scoped3A : memref<!tpu.dma_semaphore, #tpu.memory_space<semaphore_mem>>) src(%arg10 : memref<10000xf32, #tpu.memory_space<vmem_shared>>) dst(%dma_wait3A_150 : memref<10000xf32, #tpu.memory_space<hbm>>)
        tpu.yield
      }) : () -> ()
    } else {
    }
    return
  }
}

module attributes {stable_mosaic.version = 14 : i64} {
  func.func @body(%arg0: memref<2x10000xf32, #tpu.memory_space<vmem>>, %arg1: memref<4x10000xf32, #tpu.memory_space<vmem>>, %arg2: memref<1x10000xf32, #tpu.memory_space<vmem>>) attributes {dimension_semantics = [], scalar_prefetch = 0 : i64, scratch_operands = 0 : i64, tpu.core_type = #tpu.core_type<tc>} {
    %get3A = arith.constant 0 : index
    %get3A_0 = arith.constant 0 : index
    %get3A_1 = vector.load %arg0[%get3A, %get3A_0] : memref<2x10000xf32, #tpu.memory_space<vmem>>, vector<1x10000xf32>
    %get3A_2 = arith.constant 2 : index
    %get3A_3 = arith.constant 0 : index
    %get3A_4 = vector.load %arg1[%get3A_2, %get3A_3] : memref<4x10000xf32, #tpu.memory_space<vmem>>, vector<1x10000xf32>
    %add3A = arith.addf %get3A_1, %get3A_4 : vector<1x10000xf32>
    %get3A_5 = arith.constant 1 : index
    %get3A_6 = arith.constant 0 : index
    %get3A_7 = vector.load %arg0[%get3A_5, %get3A_6] : memref<2x10000xf32, #tpu.memory_space<vmem>>, vector<1x10000xf32>
    %add3A_8 = arith.addf %add3A, %get3A_7 : vector<1x10000xf32>
    %reduce_max3A = vector.shape_cast %add3A_8 : vector<1x10000xf32> to vector<1x1x10000xf32>
    %reduce_max3A_9 = arith.constant dense<0xFF800000> : vector<1xf32>
    %reduce_max3A_10 = vector.multi_reduction <maximumf>, %reduce_max3A, %reduce_max3A_9 [1, 2] : vector<1x1x10000xf32> to vector<1xf32>
    %reduce_max3A_11 = vector.shape_cast %reduce_max3A_10 : vector<1xf32> to vector<1x1x1xf32>
    %reduce_max3A_12 = vector.extract %reduce_max3A_11[0, 0, 0] : f32 from vector<1x1x1xf32>
    %sub3A = vector.broadcast %reduce_max3A_12 : f32 to vector<1x10000xf32>
    %sub3A_13 = arith.subf %add3A_8, %sub3A : vector<1x10000xf32>
    %exp3A = math.exp %sub3A_13 : vector<1x10000xf32>
    %reduce_sum3A = vector.shape_cast %exp3A : vector<1x10000xf32> to vector<1x1x10000xf32>
    %reduce_sum3A_14 = arith.constant dense<0.000000e+00> : vector<1xf32>
    %reduce_sum3A_15 = vector.multi_reduction <add>, %reduce_sum3A, %reduce_sum3A_14 [1, 2] : vector<1x1x10000xf32> to vector<1xf32>
    %reduce_sum3A_16 = vector.shape_cast %reduce_sum3A_15 : vector<1xf32> to vector<1x1x1xf32>
    %reduce_sum3A_17 = vector.extract %reduce_sum3A_16[0, 0, 0] : f32 from vector<1x1x1xf32>
    %div3A = vector.broadcast %reduce_sum3A_17 : f32 to vector<1x10000xf32>
    %div3A_18 = arith.divf %exp3A, %div3A : vector<1x10000xf32>
    %swap3A = arith.constant 0 : index
    %swap3A_19 = arith.constant 0 : index
    %swap3A_20 = vector.load %arg2[%swap3A, %swap3A_19] : memref<1x10000xf32, #tpu.memory_space<vmem>>, vector<1x10000xf32>
    tpu.vector_store %arg2[%swap3A, %swap3A_19], %div3A_18 {strides = array<i32>} : memref<1x10000xf32, #tpu.memory_space<vmem>>, vector<1x10000xf32>,
    return
  }
}

module attributes {stable_mosaic.version = 14 : i64} {
  func.func @body(%arg0: memref<10000x128xf32, #tpu.memory_space<vmem>>, %arg1: memref<256xf32, #tpu.memory_space<vmem>>, %arg2: memref<128xf32, #tpu.memory_space<vmem>>, %arg3: memref<1x1xf32, #tpu.memory_space<smem>>, %arg4: memref<1x1xf32, #tpu.memory_space<smem>>, %arg5: memref<4x10000xf32, #tpu.memory_space<vmem>>) attributes {dimension_semantics = [], scalar_prefetch = 0 : i64, scratch_operands = 0 : i64, tpu.core_type = #tpu.core_type<tc>} {
    %get3A = arith.constant 0 : index
    %get3A_0 = vector.load %arg1[%get3A] : memref<256xf32, #tpu.memory_space<vmem>>, vector<256xf32>
    %reshape3A = vector.shape_cast %get3A_0 : vector<256xf32> to vector<2x128xf32>
    %get3A_1 = arith.constant 0 : index
    %get3A_2 = vector.load %arg2[%get3A_1] : memref<128xf32, #tpu.memory_space<vmem>>, vector<128xf32>
    %reshape3A_3 = vector.shape_cast %get3A_2 : vector<128xf32> to vector<1x128xf32>
    %concatenate3A = tpu.concatenate %reshape3A, %reshape3A_3 in 0 : vector<2x128xf32>, vector<1x128xf32> -> vector<3x128xf32>
    %get3A_4 = arith.constant 0 : index
    %get3A_5 = arith.constant 0 : index
    %get3A_6 = vector.load %arg0[%get3A_4, %get3A_5] : memref<10000x128xf32, #tpu.memory_space<vmem>>, vector<10000x128xf32>
    %dot_general3A = arith.constant dense<0.000000e+00> : vector<3x10000xf32>
    %dot_general3A_7 = tpu.matmul %concatenate3A, %get3A_6, %dot_general3A {dimension_numbers = #tpu.dot_dimension_numbers<[1], [1], [0], [0], [0, 0, 1, 0], [], []>, transpose_lhs_hint = false} : vector<3x128xf32>, vector<10000x128xf32>, vector<3x10000xf32> -> vector<3x10000xf32>
    %iota3A = tpu.iota {dimensions = array<i32: 0>} : vector<3x1xi32>
    %eq3A = arith.constant 1 : i32
    %eq3A_8 = vector.broadcast %eq3A : i32 to vector<3x1xi32>
    %eq3A_9 = arith.cmpi eq, %iota3A, %eq3A_8 : vector<3x1xi32>
    %get3A_10 = arith.constant 0 : index
    %get3A_11 = arith.constant 0 : index
    %get3A_12 = memref.load %arg3[%get3A_10, %get3A_11] : memref<1x1xf32, #tpu.memory_space<smem>>
    %jit3A = arith.constant 0.000000e+00 : f32
    %broadcast_in_dim3A = vector.broadcast %get3A_12 : f32 to vector<3x1xf32>
    %broadcast_in_dim3A_13 = vector.broadcast %jit3A : f32 to vector<3x1xf32>
    %select_n3A = arith.select %eq3A_9, %broadcast_in_dim3A, %broadcast_in_dim3A_13 : vector<3x1xi1>, vector<3x1xf32>
    %eq3A_14 = arith.constant 2 : i32
    %eq3A_15 = vector.broadcast %eq3A_14 : i32 to vector<3x1xi32>
    %eq3A_16 = arith.cmpi eq, %iota3A, %eq3A_15 : vector<3x1xi32>
    %get3A_17 = arith.constant 0 : index
    %get3A_18 = arith.constant 0 : index
    %get3A_19 = memref.load %arg4[%get3A_17, %get3A_18] : memref<1x1xf32, #tpu.memory_space<smem>>
    %jit3A_20 = arith.constant 0.000000e+00 : f32
    %broadcast_in_dim3A_21 = vector.broadcast %get3A_19 : f32 to vector<3x1xf32>
    %broadcast_in_dim3A_22 = vector.broadcast %jit3A_20 : f32 to vector<3x1xf32>
    %select_n3A_23 = arith.select %eq3A_16, %broadcast_in_dim3A_21, %broadcast_in_dim3A_22 : vector<3x1xi1>, vector<3x1xf32>
    %add3A = arith.addf %select_n3A, %select_n3A_23 : vector<3x1xf32>
    %add3A_24 = vector.broadcast %add3A : vector<3x1xf32> to vector<3x10000xf32>
    %add3A_25 = arith.addf %dot_general3A_7, %add3A_24 : vector<3x10000xf32>
    %swap3A = arith.constant 0 : index
    %swap3A_26 = arith.constant 0 : index
    %swap3A_27 = vector.load %arg5[%swap3A, %swap3A_26] : memref<4x10000xf32, #tpu.memory_space<vmem>>, vector<3x10000xf32>
    tpu.vector_store %arg5[%swap3A, %swap3A_26], %add3A_25 {strides = array<i32>} : memref<4x10000xf32, #tpu.memory_space<vmem>>, vector<3x10000xf32>,
    %broadcast_in_dim3A_28 = arith.constant 0.000000e+00 : f32
    %broadcast_in_dim3A_29 = vector.broadcast %broadcast_in_dim3A_28 : f32 to vector<1x10000xf32>
    %swap3A_30 = arith.constant 3 : index
    %swap3A_31 = arith.constant 0 : index
    %swap3A_32 = vector.load %arg5[%swap3A_30, %swap3A_31] : memref<4x10000xf32, #tpu.memory_space<vmem>>, vector<1x10000xf32>
    tpu.vector_store %arg5[%swap3A_30, %swap3A_31], %broadcast_in_dim3A_29 {strides = array<i32>} : memref<4x10000xf32, #tpu.memory_space<vmem>>, vector<1x10000xf32>,
    return
  }
}

</mosaic_0001>

<sc_bundles>
// kernel: kernel.5.cloned.1.call-start
scs
__scs_entry_jumppad:
0x0: {  	(pc) =	sbr.rel $0x88, $3  }
0x1: {  	(tag) =	ssettag $0x0;
	lr =	simm.s32 $0x1  }
0x2: {  	[smem:$0x3F9B] =	sst lr;
	_ =	strace $0xD0000000  }
0x3: {  	_ = 	snop  }
0x4: {  	_ = 	snop  }
0x5: {  	_ = 	snop  }
0x6: {  	_ = 	snop  }
0x7: {  	_ = 	snop  }
__scs_overlays_trampoline_lowered:
0x8: {  	[smem:$0x3FAA] =	sst s0  }
0x9: {  	[smem:$0x3FAB] =	sst s1  }
0xa: {  	[smem:$0x3FAC] =	sst s2  }
0xb: {  	[smem:$0x3FAD] =	sst s3  }
0xc: {  	[smem:$0x3FAE] =	sst s4  }
0xd: {  	[smem:$0x3FAF] =	sst s5  }
0xe: {  	[smem:$0x3FB0] =	sst s6  }
0xf: {  	[smem:$0x3FB1] =	sst s7  }
0x10: {  	[smem:$0x3FB2] =	sst s8  }
0x11: {  	[smem:$0x3FB3] =	sst s9;
	s0 =	simm.s32 @!p0 $0x0  }
0x12: {  	s1 =	sld [smem:$0x3F99];
	s0 =	simm.s32 @p0 $0x1  }
0x13: {  	[smem:$0x3FB4] =	sst s0;
	s0 =	simm.s32 @!p1 $0x0  }
0x14: {  	s2 =	sld [smem:$0x3F98];
	s0 =	simm.s32 @p1 $0x1  }
0x15: {  	[smem:$0x3FB5] =	sst s0;
	s0 =	simm.s32 @!p2 $0x0  }
0x16: {  	s3 =	sld [smem:$0x3FDB];
	s0 =	simm.s32 @p2 $0x1  }
0x17: {  	s4 =	simm.s32 $0x1BF5;
	[smem:$0x3FB7] =	sst s0  }
0x18: {  	s0 =	sld [smem:$0x3F9A];
	_ =	swait.ge [sflag:s4], $0x0  }
0x19: {  	s7 =	sld [smem:$0x3F9B]  }
0x1a: {  	s8 =	sadd.s32 $0xFFFFE003, lr  }
0x1b: {  	s9 =	sadd.s32 $0xFFFFFEF7, lr;
	s5 =	simm.s32 $0xFFFFFFFF;
	p2 =	slt.u32 s8, $0xFFFFF086  }
0x1c: {  	p1 =	slt.u32 s9, $0xF7A;
	s5 =	simm.s32 @!p2 $0x0  }
0x1d: {  	s5 =	simm.s32 @p1 $0x1;
	p0 =	seq.s32 s7, s2  }
0x1e: {  	s7 =	smul.u32 @!p0 $0xF7A, s2;
	p2 =	seq.s32 @!p0 s5, $0x0  }
0x1f: {  	s9 =	smul.u32 $0xF7A, s1;
	s8 =	simm.s32 @!p0 $0x1BF5;
	p2 =	por !p2, p0  }
0x20: {  	[sflag:s8] =	ssyncset.s32 @!p0 $0xFFFFF086;
	s6 =	sadd.s32 @!p0 s3, s7;
	s7 =	simm.s32 @!p0 $0x108  }
0x21: {  	s3 =	sadd.s32 s3, s9;
	s6 =	sadd.s32 @!p0 $0x88, s6;
	s7 =	simm.s32 @p2 $0x1082  }
0x22: {  	[simem:s7], [sflag:s8] =	dma.local @!p0 [hbm:s6], $0xF7A  }
0x23: {  	s9 =	sor.u32 $0xD0000000, s2;
	s6 =	simm.s32 $0x108;
	_ =	swait.ge @!p0 [sflag:s8], $0x0  }
0x24: {  	s3 =	sadd.s32 $0x88, s3;
	s6 =	simm.s32 @!p1 $0x1082;
	[sflag:s4] =	ssyncset.s32 $0xFFFFF086  }
0x25: {  	[simem:s6], [sflag:s4] =	dma.local [hbm:s3], $0xF7A  }
0x26: {  	[smem:$0x3F9B] =	sst s1;
	(tag) =	ssettag s2;
	_ =	strace s9  }
0x27: {  	s1 =	sld [smem:$0x3FAB]  }
0x28: {  	s2 =	sld [smem:$0x3FAC]  }
0x29: {  	s4 =	sld [smem:$0x3FAE]  }
0x2a: {  	p0 =	seq.s32 s5, $0x0;
	s5 =	sld [smem:$0x3FAF]  }
0x2b: {  	s6 =	sld [smem:$0x3FB0]  }
0x2c: {  	s7 =	sld [smem:$0x3FB1]  }
0x2d: {  	s3 =	simm.s32 $0x108;
	s8 =	sld [smem:$0x3FB2]  }
0x2e: {  	s3 =	simm.s32 @!p0 $0x1082;
	s9 =	sld [smem:$0x3FB3]  }
0x2f: {  	lr =	sadd.s32 s0, s3;
	s0 =	sld [smem:$0x3FAA]  }
0x30: {  	s3 =	sld [smem:$0x3FAD]  }
0x31: {  	[smem:$0x3FB6] =	sst s10  }
0x32: {  	s10 =	sld [smem:$0x3FB4];
	_ =	sdelay $0x3  }
0x33: {  	p0 =	seq.s32 s10, $0x1;
	s10 =	sld [smem:$0x3FB6];
	_ =	sdelay $0x3  }
0x34: {  	[smem:$0x3FB6] =	sst s10  }
0x35: {  	s10 =	sld [smem:$0x3FB5];
	_ =	sdelay $0x3  }
0x36: {  	p1 =	seq.s32 s10, $0x1;
	s10 =	sld [smem:$0x3FB6];
	_ =	sdelay $0x3  }
0x37: {  	[smem:$0x3FB6] =	sst s10  }
0x38: {  	s10 =	sld [smem:$0x3FB7]  }
0x39: {  	_ = 	snop;
	(pc) =	sbr.ind lr, $3  }
0x3a: {  	_ = 	snop  }
0x3b: {  	_ = 	snop  }
0x3c: {  	p2 =	seq.s32 s10, $0x1;
	s10 =	sld [smem:$0x3FB6]  }
0x3d: {  	_ =	shalt  }
0x3e: {  	_ =	shalt  }
0x3f: {  	_ =	shalt  }
0x40: {  	_ =	shalt  }
0x41: {  	_ =	shalt  }
0x42: {  	_ =	shalt  }
0x43: {  	_ =	shalt  }
0x44: {  	_ =	shalt  }
0x45: {  	_ =	shalt  }
0x46: {  	_ =	shalt  }
0x47: {  	_ =	shalt  }
0x48: {  	_ =	shalt  }
0x49: {  	_ =	shalt  }
0x4a: {  	_ =	shalt  }
0x4b: {  	_ =	shalt  }
0x4c: {  	_ =	shalt  }
0x4d: {  	_ =	shalt  }
0x4e: {  	_ =	shalt  }
0x4f: {  	_ =	shalt  }
0x50: {  	_ =	shalt  }
0x51: {  	_ =	shalt  }
0x52: {  	_ =	shalt  }
0x53: {  	_ =	shalt  }
0x54: {  	_ =	shalt  }
0x55: {  	_ =	shalt  }
0x56: {  	_ =	shalt  }
0x57: {  	_ =	shalt  }
0x58: {  	_ =	shalt  }
0x59: {  	_ =	shalt  }
0x5a: {  	_ =	shalt  }
0x5b: {  	_ =	shalt  }
0x5c: {  	_ =	shalt  }
0x5d: {  	_ =	shalt  }
0x5e: {  	_ =	shalt  }
0x5f: {  	_ =	shalt  }
0x60: {  	_ =	shalt  }
0x61: {  	_ =	shalt  }
0x62: {  	_ =	shalt  }
0x63: {  	_ =	shalt  }
0x64: {  	_ =	shalt  }
0x65: {  	_ =	shalt  }
0x66: {  	_ =	shalt  }
0x67: {  	_ =	shalt  }
0x68: {  	_ =	shalt  }
0x69: {  	_ =	shalt  }
0x6a: {  	_ =	shalt  }
0x6b: {  	_ =	shalt  }
0x6c: {  	_ =	shalt  }
0x6d: {  	_ =	shalt  }
0x6e: {  	_ =	shalt  }
0x6f: {  	_ =	shalt  }
0x70: {  	_ =	shalt  }
0x71: {  	_ =	shalt  }
0x72: {  	_ =	shalt  }
0x73: {  	_ =	shalt  }
0x74: {  	_ =	shalt  }
0x75: {  	_ =	shalt  }
0x76: {  	_ =	shalt  }
0x77: {  	_ =	shalt  }
0x78: {  	_ =	shalt  }
0x79: {  	_ =	shalt  }
0x7a: {  	_ =	shalt  }
0x7b: {  	_ =	shalt  }
0x7c: {  	_ =	shalt  }
0x7d: {  	_ =	shalt  }
0x7e: {  	_ =	shalt  }
0x7f: {  	_ =	shalt  }
0x80: {  	_ =	shalt  }
0x81: {  	_ =	shalt  }
0x82: {  	_ =	shalt  }
0x83: {  	_ =	shalt  }
0x84: {  	_ =	shalt  }
0x85: {  	_ =	shalt  }
0x86: {  	_ =	shalt  }
0x87: {  	_ =	shalt  }
.Lfunc_end0:
.L_simem_size_0:
called_computation_lowered:
.L_overlay_start_0:
0x88: {  	s2 =	sld [smem:$0x3FD9]  }
0x89: {  	s3 =	sld [smem:$0x3FFE];
	_ =	sdelay $0x1  }
0x8a: {  	s1 =	srdreg.scid  }
0x8b: {  	s0 =	sand.u32 $0x1, s1  }
0x8c: {  	s17 =	sshll.u32 s0, $0xA;
	s2 =	sadd.s32 s3, s2  }
0x8d: {  	s2 =	sadd.s32 s2, s17  }
0x8e: {  	[smem:$0x3FC2] =	sst s2  }
0x8f: {  	_ = 	snop  }
0x90: {  	s2 =	sld [smem:$0x3FC8];
	(tm) =	ssettm $0x1  }
0x91: {  	s18 =	sld [smem:$0x3FFB];
	_ =	sdelay $0x3  }
0x92: {  	_ =	strace s18  }
0x93: {  	s3 =	sld [smem:$0x3FFC];
	_ =	sdelay $0x3  }
0x94: {  	_ =	strace s3  }
0x95: {  	s3 =	sld [smem:$0x3FFD];
	_ =	sdelay $0x3  }
0x96: {  	_ =	strace s3  }
0x97: {  	_ =	strace $0x8FFFFFFF  }
0x98: {  	s19 =	sld [smem:$0x3FDB];
	_ =	sdelay $0x1  }
0x99: {  	s4 =	simm.s32 $_scs_section_size  }
0x9a: {  	s5 =	simm.s32 $_size__tile_overlayer_lowered;
	s6 =	simm.s32 $_tile_overlayer_lowered  }
0x9b: {  	s22 =	simm.s32 $0x1BFF;
	s21 =	sshll.u32 s6, $0x1;
	s3 =	sadd.s32 s4, s19  }
0x9c: {  	s7 =	simm.s32 $0x0;
	s20 =	sshll.u32 s5, $0x1;
	s5 =	sadd.s32 s21, s3  }
0x9d: {  	[timem:s7], [sflag:s22] =	dma.local [hbm:s5], s20  }
0x9e: {  	_ =	swait.ge [sflag:s22], s20  }
0x9f: {  	s4 =	ssub.s32 $0x0, s20;
	[sflag:s22] =	ssyncset.done $0x0  }
0xa0: {  	[sflag:s22] =	ssyncadd.s32 s4;
	_ =	sdelay $0x1  }
0xa1: {  	s23 =	simm.s32 $0x1B8B  }
0xa2: {  	_ =	swait.ge [sflag:s23], $0x1  }
0xa3: {  	[sflag:s23] =	ssyncset.done $0x0  }
0xa4: {  	s25 =	simm.s32 $0x1B8E;
	s24 =	sld [smem:$0x3FFE];
	[sflag:s23] =	ssyncadd.s32 $0xFFFFFFFF  }
0xa5: {  	s26 =	simm.s32 $execute0_lowered;
	[smem:$0x3FD2] =	sst s25  }
0xa6: {  	s5 =	sshll.u32 s26, $0x1;
	_ =	strace $0x80000046;
	[dreg:$0x1] =	wrdreg $0xFFFFFFFF  }
0xa7: {  	s28 =	simm.s32 $_size_execute0_lowered;
	s3 =	sadd.s32 s3, s5;
	[dreg:$0x0] =	wrdreg $0x0  }
0xa8: {  	s5 =	sshll.u32 s28, $0x1;
	[dreg:$0x2] =	wrdreg s3  }
0xa9: {  	[dreg:$0x3] =	wrdreg s5  }
0xaa: {  	[dreg:$0x4] =	wrdreg $0xC0  }
0xab: {  	_ =	task [dreg:s7], $0x5FFFF  }
0xac: {  	[dreg:$0x1] =	wrdreg $0xFFFFFFFF  }
0xad: {  	[dreg:$0x0] =	wrdreg $0x60  }
0xae: {  	[dreg:$0x2] =	wrdreg s24  }
0xaf: {  	[dreg:$0x3] =	wrdreg s2  }
0xb0: {  	[dreg:$0x4] =	wrdreg $0xED000  }
0xb1: {  	[dreg:$0x5] =	wrdreg $0x9  }
0xb2: {  	_ =	task.clear_ibuf [dreg:s7], $0x6FFFF;
	_ =	strace $0x90000046  }
0xb3: {  	s29 =	simm.s32 $0x9;
	_ =	strace $0x80000048  }
0xb4: {  	_ =	swait.ge [sflag:s29], $0x1  }
0xb5: {  	[sflag:s29] =	ssyncadd.s32 $0xFFFFFFFF  }
0xb6: {  	_ =	strace $0x90000048  }
0xb7: {  	_ =	sfence  }
0xb8: {  	s30 =	sld [smem:$0x0];
	_ =	sdelay $0x2  }
0xb9: {  	s31 =	sshll.u32 s1, $0xD;
	s1 =	sshrl.u32 s1, $0x2  }
0xba: {  	s3 =	sand.u32 $0x4000, s31;
	s1 =	sadd.s32 s1, s30  }
0xbb: {  	s0 =	sor.u32 s3, s0;
	s1 =	sshll.u32 s1, $0x11  }
0xbc: {  	s0 =	sor.u32 s1, s0  }
0xbd: {  	s0 =	sadd.s32 $0x8F2B, s0  }
0xbe: {  	[sflag:s0] =	ssyncadd.remote.s32 $0x1  }
0xbf: {  	_ =	sfence.sel $0xFFFF  }
0xc0: {  	[dreg:$0x0] =	wrdreg $0xFFFFFFFF;
	(pc) =	sbr.abs _section_cstart, $3  }
0xc1: {  	[dreg:$0x1] =	wrdreg $0xFFFFFFFF  }
0xc2: {  	_ =	task.clear_ibuf [dreg:s7], $0x2FFFF;
	_ =	strace $0x9FFFFFFF  }
0xc3: {  	(tm) =	ssettm $0x7FFFFFFF  }
tec
execute0_lowered:
.L_overlay_start_1:
0x0: {  	(tag) =	ssettag $0x1  }
0x1: {  	s7 =	rddreg [dreg:$0x0]  }
0x2: {  	s0 =	srdreg.scid;
	s5 =	rddreg [dreg:$0x1]  }
0x3: {  	s14 =	stileid.u32;
	s1 =	rddreg [dreg:$0x2]  }
0x4: {  	s2 =	simm.s32 $0x0;
	s10 =	simm.s32 $0x80;
	s11 =	simm.s32 $0x200  }
0x5: {  	s12 =	simm.s32 $0x9E00;
	s13 =	simm.s32 $0xC580;
	s15 =	simm.s32 $0x1  }
0x6: {  	s16 =	simm.s32 $0xA00;
	s17 =	simm.s32 $0x4F00;
	s18 =	simm.s32 $0x7680  }
0x7: {  	s19 =	simm.s32 $0x5900;
	s20 =	simm.s32 $0x8080;
	s21 =	simm.s32 $0x6300  }
0x8: {  	s22 =	simm.s32 $0x8A80;
	s24 =	simm.s32 $0x6D00;
	s25 =	simm.s32 $0x9480  }
0x9: {  	s26 =	simm.s32 $0x2;
	s28 =	simm.s32 $0x0;
	s4 =	sand.u32 $0x1, s0  }
0xa: {  	[smem:$0x7FF] =	sst s2;
	p0 =	sne.s32 s14, $0x0;
	s6 =	sshll.u32 s4, $0x4  }
0xb: {  	_ =	strace $0x80000047;
	s9 =	ssub.s32 $0x2, s4;
	s23 =	sor.u32 s14, s6  }
0xc: {  	s30 =	sadd.s32 s6, s7;
	s31 =	sshrl.u32 s9, $0x1;
	s3 =	smul.u32 $0x4E, s23  }
0xd: {  	s14 =	sshrl.u32 @!p0 s1, $0x3;
	s8 =	smin.u32 s23, $0x4;
	s9 =	ssub.s32 s9, s31  }
0xe: {  	p1 =	sgt.u32 s23, $0x3;
	p2 =	slt.u32 s23, $0x4;
	s8 =	sadd.s32 s8, s3  }
0xf: {  	s23 =	simm.s32 $0x980;
	s9 =	smax.u32 s9, $0x1;
	s29 =	sshll.u32 s8, $0x5  }
0x10: {  	s3 =	sadd.s32 $0xC00, s7;
	s8 =	sadd.s32 $0x2000, s30;
	s4 =	sadd.s32 s5, s29  }
0x11: {  	s5 =	sadd.s32 $0xC10, s7;
	s7 =	sadd.s32 $0xC30, s7;
	s6 =	sadd.s32 $0x9C0, s4  }
.LBB2_1:
0x12: {  	[tilespmem:s2], [sflag:$0x1] =	stream.linear.gather [hbm4b:s4+s2], $0x4E00, $0x38;
	[tilespmem:$0xEF78] =	vst v63  }
0x13: {  	_ = 	snop  }
0x14: {  	[tilespmem:s12], [sflag:$0x1] =	stream.strided.gather [hbm4b:s3+s10], $0x2780, s11, s10, $0x38;
	[tilespmem:$0xEF78] =	vst v63  }
0x15: {  	_ = 	snop  }
0x16: {  	v0 =	vlaneseq.u32 @p1;
	[tilespmem:s13], [sflag:$0x1] =	stream.strided.gather [hbm4b:s5+s10], $0x2780, s11, s10, $0x38;
	[tilespmem:$0xEF78] =	vst v63  }
0x17: {  	[tilespmem:$0x4E00] =	vst @p1 v0  }
0x18: {  	v1 =	vor.u32 @p1 $0x10, v0;
	[tilespmem:$0x4E80] =	vst @p1 v0  }
0x19: {  	[tilespmem:$0x4E10] =	vst @p1 v1  }
0x1a: {  	[tilespmem:$0x4E90] =	vst @p1 v1;
	v1 =	vor.u32 @p1 $0x20, v0  }
0x1b: {  	[tilespmem:$0x4E20] =	vst @p1 v1  }
0x1c: {  	[tilespmem:$0x4EA0] =	vst @p1 v1;
	v1 =	vor.u32 @p1 $0x30, v0  }
0x1d: {  	[tilespmem:$0x4E30] =	vst @p1 v1  }
0x1e: {  	[tilespmem:$0x4EB0] =	vst @p1 v1;
	v1 =	vor.u32 @p1 $0x40, v0  }
0x1f: {  	[tilespmem:$0x4E40] =	vst @p1 v1  }
0x20: {  	[tilespmem:$0x4EC0] =	vst @p1 v1;
	v1 =	vor.u32 @p1 $0x50, v0  }
0x21: {  	[tilespmem:$0x4E50] =	vst @p1 v1  }
0x22: {  	[tilespmem:$0x4ED0] =	vst @p1 v1;
	v1 =	vor.u32 @p1 $0x60, v0  }
0x23: {  	[tilespmem:$0x4E60] =	vst @p1 v1  }
0x24: {  	v0 =	vor.u32 @p1 $0x70, v0;
	[tilespmem:$0x4EE0] =	vst @p1 v1  }
0x25: {  	[tilespmem:$0x4E70] =	vst @p1 v0  }
0x26: {  	s29 =	simm.s32 @!p1 $0x0;
	s30 =	simm.s32 @!p1 $0x4E00;
	[tilespmem:$0x4EF0] =	vst @p1 v0  }
0x27: {  	[tilespmem:s30], [sflag:$0x3] =	stream.linear.gather @!p1 [hbm4b:s6+s29], $0x100, $0x38;
	[tilespmem:$0xEF78] =	vst v63  }
0x28: {  	s29 =	simm.s32 @!p1 $0x3  }
0x29: {  	_ =	swait.ge @!p1 [sflag:s29], $0x100  }
0x2a: {  	s31 =	simm.s32 @!p0 $0x40;
	s0 =	simm.s32 @!p0 $0x1C03;
	[sflag:s29] =	ssyncset.done @!p1 $0x0  }
0x2b: {  	s30 =	simm.s32 @!p0 $0x10;
	[sflag:s29] =	ssyncadd.s32 @!p1 $0xFFFFFF00;
	s29 =	simm.s32 @!p0 $0x1  }
0x2c: {  	[spmem:s14@s30], [sflag:s0] =	dma.strided @!p0 [hbm:s7@s31], $0x4F0, s29, $0x10   }
0x2d: {  	s0 =	simm.s32 @!p0 $0x3  }
0x2e: {  	_ =	swait.ge @!p0 [sflag:s0], $0x4F0  }
0x2f: {  	[sflag:s0] =	ssyncset.done @!p0 $0x0  }
0x30: {  	[sflag:s0] =	ssyncadd.s32 @!p0 $0xFFFFFB10  }
0x31: {  	_ =	swait.ge [sflag:s15], $0x4E00  }
0x32: {  	[sflag:s15] =	ssyncset.done $0x0  }
0x33: {  	[sflag:s15] =	ssyncadd.s32 $0xFFFFB200  }
0x34: {  	_ =	swait.ge [sflag:s15], $0x2780  }
0x35: {  	[sflag:s15] =	ssyncset.done $0x0  }
0x36: {  	[sflag:s15] =	ssyncadd.s32 $0xFFFFD880  }
0x37: {  	_ =	swait.ge [sflag:s15], $0x2780  }
0x38: {  	[sflag:s15] =	ssyncset.done $0x0  }
0x39: {  	[sflag:s15] =	ssyncadd.s32 $0xFFFFD880  }
0x3a: {  	s29 =	simm.s32 $0x80;
	s30 =	simm.s32 $0x0;
	[bflag:$0x0] =	sbarrier.arrive $0xFFFF  }
.LBB2_2:
0x3b: {  	v0 =	vld [tilespmem:s29+$0xFFFFFF80]  }
0x3c: {  	v1 =	vld [tilespmem:s29+$0x0];
	_ =	sdelay $0x6  }
0x3d: {  	v0 =	vld.idx.msk [tilespmem:v0+s12+$0x0], $0xffff  }
0x3e: {  	v2 =	vld.idx.msk [tilespmem:v1+s13+$0x0], $0xffff;
	_ =	sdelay $0x4  }
0x3f: {  	s0 =	sshra.s32 s30, $0x2;
	v0 =	vadd.f32 v2, v0  }
0x40: {  	[tilespmem:s0+$0x4F00] =	vst v1  }
0x41: {  	[tilespmem:s0+$0x7680] =	vst v0  }
0x42: {  	v0 =	vld [tilespmem:s29+$0xFFFFFF90]  }
0x43: {  	v1 =	vld [tilespmem:s29+$0x10];
	_ =	sdelay $0x6  }
0x44: {  	v0 =	vld.idx.msk [tilespmem:v0+s12+$0x0], $0xffff  }
0x45: {  	v57 =	vld.idx.msk [tilespmem:v1+s13+$0x0], $0xffff;
	_ =	sdelay $0x4  }
0x46: {  	v0 =	vadd.f32 v57, v0  }
0x47: {  	[tilespmem:s0+$0x4F10] =	vst v1  }
0x48: {  	[tilespmem:s0+$0x7690] =	vst v0  }
0x49: {  	v0 =	vld [tilespmem:s29+$0xFFFFFFA0]  }
0x4a: {  	v1 =	vld [tilespmem:s29+$0x20];
	_ =	sdelay $0x6  }
0x4b: {  	v0 =	vld.idx.msk [tilespmem:v0+s12+$0x0], $0xffff  }
0x4c: {  	v58 =	vld.idx.msk [tilespmem:v1+s13+$0x0], $0xffff;
	_ =	sdelay $0x4  }
0x4d: {  	v0 =	vadd.f32 v58, v0  }
0x4e: {  	[tilespmem:s0+$0x4F20] =	vst v1  }
0x4f: {  	[tilespmem:s0+$0x76A0] =	vst v0  }
0x50: {  	v0 =	vld [tilespmem:s29+$0xFFFFFFB0]  }
0x51: {  	v1 =	vld [tilespmem:s29+$0x30];
	_ =	sdelay $0x6  }
0x52: {  	v0 =	vld.idx.msk [tilespmem:v0+s12+$0x0], $0xffff  }
0x53: {  	v59 =	vld.idx.msk [tilespmem:v1+s13+$0x0], $0xffff;
	_ =	sdelay $0x4  }
0x54: {  	v0 =	vadd.f32 v59, v0  }
0x55: {  	[tilespmem:s0+$0x4F30] =	vst v1  }
0x56: {  	[tilespmem:s0+$0x76B0] =	vst v0  }
0x57: {  	v0 =	vld [tilespmem:s29+$0xFFFFFFC0]  }
0x58: {  	v1 =	vld [tilespmem:s29+$0x40];
	_ =	sdelay $0x6  }
0x59: {  	v0 =	vld.idx.msk [tilespmem:v0+s12+$0x0], $0xffff  }
0x5a: {  	v60 =	vld.idx.msk [tilespmem:v1+s13+$0x0], $0xffff;
	_ =	sdelay $0x4  }
0x5b: {  	v0 =	vadd.f32 v60, v0  }
0x5c: {  	[tilespmem:s0+$0x4F40] =	vst v1  }
0x5d: {  	[tilespmem:s0+$0x76C0] =	vst v0  }
0x5e: {  	v0 =	vld [tilespmem:s29+$0xFFFFFFD0]  }
0x5f: {  	v1 =	vld [tilespmem:s29+$0x50];
	_ =	sdelay $0x6  }
0x60: {  	v0 =	vld.idx.msk [tilespmem:v0+s12+$0x0], $0xffff  }
0x61: {  	v61 =	vld.idx.msk [tilespmem:v1+s13+$0x0], $0xffff;
	_ =	sdelay $0x4  }
0x62: {  	v0 =	vadd.f32 v61, v0  }
0x63: {  	[tilespmem:s0+$0x4F50] =	vst v1  }
0x64: {  	[tilespmem:s0+$0x76D0] =	vst v0  }
0x65: {  	v0 =	vld [tilespmem:s29+$0xFFFFFFE0]  }
0x66: {  	v1 =	vld [tilespmem:s29+$0x60];
	_ =	sdelay $0x6  }
0x67: {  	v0 =	vld.idx.msk [tilespmem:v0+s12+$0x0], $0xffff  }
0x68: {  	v62 =	vld.idx.msk [tilespmem:v1+s13+$0x0], $0xffff;
	_ =	sdelay $0x4  }
0x69: {  	v0 =	vadd.f32 v62, v0  }
0x6a: {  	[tilespmem:s0+$0x4F60] =	vst v1  }
0x6b: {  	[tilespmem:s0+$0x76E0] =	vst v0  }
0x6c: {  	v0 =	vld [tilespmem:s29+$0xFFFFFFF0]  }
0x6d: {  	v1 =	vld [tilespmem:s29+$0x70];
	_ =	sdelay $0x6  }
0x6e: {  	v0 =	vld.idx.msk [tilespmem:v0+s12+$0x0], $0xffff  }
0x6f: {  	v63 =	vld.idx.msk [tilespmem:v1+s13+$0x0], $0xffff;
	_ =	sdelay $0x1  }
0x70: {  	p3 =	sne.s32 s30, $0x2600  }
.Ltmp0:
0x71: {  	_ = 	snop;
	(pc) =	sbr.rel @p3 .LBB2_2-.Ltmp0, $4  }
0x72: {  	_ = 	snop  }
0x73: {  	v0 =	vadd.f32 v63, v0  }
0x74: {  	[tilespmem:s0+$0x4F70] =	vst v1  }
0x75: {  	s30 =	sadd.s32 $0x200, s30;
	s29 =	sadd.s32 $0x100, s29;
	[tilespmem:s0+$0x76F0] =	vst v0  }
0x76: {  	[spmem:s1] =	stream.indirect.scatter.add.f32 [tilespmem:s18], [sflag:$0x2], $0x1, s17, s16, $0xb8;
	[tilespmem:$0xEF78] =	vst v63  }
0x77: {  	s29 =	simm.s32 $0x0;
	s30 =	simm.s32 $0x14F0  }
.LBB2_4:
0x78: {  	v0 =	vld [tilespmem:s30+$0xFFFFFF10]  }
0x79: {  	v1 =	vld [tilespmem:s30+$0xFFFFFF90];
	_ =	sdelay $0x6  }
0x7a: {  	v0 =	vld.idx.msk [tilespmem:v0+s12+$0x0], $0xffff  }
0x7b: {  	v2 =	vld.idx.msk [tilespmem:v1+s13+$0x0], $0xffff;
	_ =	sdelay $0x4  }
0x7c: {  	s0 =	sshra.s32 s29, $0x2;
	v0 =	vadd.f32 v2, v0  }
0x7d: {  	[tilespmem:s0+$0x5900] =	vst v1  }
0x7e: {  	[tilespmem:s0+$0x8080] =	vst v0  }
0x7f: {  	v0 =	vld [tilespmem:s30+$0xFFFFFF20]  }
0x80: {  	v1 =	vld [tilespmem:s30+$0xFFFFFFA0];
	_ =	sdelay $0x6  }
0x81: {  	v0 =	vld.idx.msk [tilespmem:v0+s12+$0x0], $0xffff  }
0x82: {  	v57 =	vld.idx.msk [tilespmem:v1+s13+$0x0], $0xffff;
	_ =	sdelay $0x4  }
0x83: {  	v0 =	vadd.f32 v57, v0  }
0x84: {  	[tilespmem:s0+$0x5910] =	vst v1  }
0x85: {  	[tilespmem:s0+$0x8090] =	vst v0  }
0x86: {  	v0 =	vld [tilespmem:s30+$0xFFFFFF30]  }
0x87: {  	v1 =	vld [tilespmem:s30+$0xFFFFFFB0];
	_ =	sdelay $0x6  }
0x88: {  	v0 =	vld.idx.msk [tilespmem:v0+s12+$0x0], $0xffff  }
0x89: {  	v58 =	vld.idx.msk [tilespmem:v1+s13+$0x0], $0xffff;
	_ =	sdelay $0x4  }
0x8a: {  	v0 =	vadd.f32 v58, v0  }
0x8b: {  	[tilespmem:s0+$0x5920] =	vst v1  }
0x8c: {  	[tilespmem:s0+$0x80A0] =	vst v0  }
0x8d: {  	v0 =	vld [tilespmem:s30+$0xFFFFFF40]  }
0x8e: {  	v1 =	vld [tilespmem:s30+$0xFFFFFFC0];
	_ =	sdelay $0x6  }
0x8f: {  	v0 =	vld.idx.msk [tilespmem:v0+s12+$0x0], $0xffff  }
0x90: {  	v59 =	vld.idx.msk [tilespmem:v1+s13+$0x0], $0xffff;
	_ =	sdelay $0x4  }
0x91: {  	v0 =	vadd.f32 v59, v0  }
0x92: {  	[tilespmem:s0+$0x5930] =	vst v1  }
0x93: {  	[tilespmem:s0+$0x80B0] =	vst v0  }
0x94: {  	v0 =	vld [tilespmem:s30+$0xFFFFFF50]  }
0x95: {  	v1 =	vld [tilespmem:s30+$0xFFFFFFD0];
	_ =	sdelay $0x6  }
0x96: {  	v0 =	vld.idx.msk [tilespmem:v0+s12+$0x0], $0xffff  }
0x97: {  	v60 =	vld.idx.msk [tilespmem:v1+s13+$0x0], $0xffff;
	_ =	sdelay $0x4  }
0x98: {  	v0 =	vadd.f32 v60, v0  }
0x99: {  	[tilespmem:s0+$0x5940] =	vst v1  }
0x9a: {  	[tilespmem:s0+$0x80C0] =	vst v0  }
0x9b: {  	v0 =	vld [tilespmem:s30+$0xFFFFFF60]  }
0x9c: {  	v1 =	vld [tilespmem:s30+$0xFFFFFFE0];
	_ =	sdelay $0x6  }
0x9d: {  	v0 =	vld.idx.msk [tilespmem:v0+s12+$0x0], $0xffff  }
0x9e: {  	v61 =	vld.idx.msk [tilespmem:v1+s13+$0x0], $0xffff;
	_ =	sdelay $0x4  }
0x9f: {  	v0 =	vadd.f32 v61, v0  }
0xa0: {  	[tilespmem:s0+$0x5950] =	vst v1  }
0xa1: {  	[tilespmem:s0+$0x80D0] =	vst v0  }
0xa2: {  	v0 =	vld [tilespmem:s30+$0xFFFFFF70]  }
0xa3: {  	v1 =	vld [tilespmem:s30+$0xFFFFFFF0];
	_ =	sdelay $0x6  }
0xa4: {  	v0 =	vld.idx.msk [tilespmem:v0+s12+$0x0], $0xffff  }
0xa5: {  	v62 =	vld.idx.msk [tilespmem:v1+s13+$0x0], $0xffff;
	_ =	sdelay $0x4  }
0xa6: {  	v0 =	vadd.f32 v62, v0  }
0xa7: {  	[tilespmem:s0+$0x5960] =	vst v1  }
0xa8: {  	[tilespmem:s0+$0x80E0] =	vst v0  }
0xa9: {  	v0 =	vld [tilespmem:s30+$0xFFFFFF80]  }
0xaa: {  	v1 =	vld [tilespmem:s30+$0x0];
	_ =	sdelay $0x6  }
0xab: {  	v0 =	vld.idx.msk [tilespmem:v0+s12+$0x0], $0xffff  }
0xac: {  	v63 =	vld.idx.msk [tilespmem:v1+s13+$0x0], $0xffff;
	_ =	sdelay $0x1  }
0xad: {  	p3 =	sne.s32 s29, $0x2600  }
.Ltmp1:
0xae: {  	_ = 	snop;
	(pc) =	sbr.rel @p3 .LBB2_4-.Ltmp1, $4  }
0xaf: {  	_ = 	snop  }
0xb0: {  	v0 =	vadd.f32 v63, v0  }
0xb1: {  	[tilespmem:s0+$0x5970] =	vst v1  }
0xb2: {  	s29 =	sadd.s32 $0x200, s29;
	s30 =	sadd.s32 $0x100, s30;
	[tilespmem:s0+$0x80F0] =	vst v0  }
0xb3: {  	[spmem:s1] =	stream.indirect.scatter.add.f32 [tilespmem:s20], [sflag:$0x2], $0x1, s19, s16, $0xb8;
	[tilespmem:$0xEF78] =	vst v63  }
0xb4: {  	s29 =	simm.s32 $0x0;
	s30 =	simm.s32 $0x28F0  }
.LBB2_6:
0xb5: {  	v0 =	vld [tilespmem:s30+$0xFFFFFF10]  }
0xb6: {  	v1 =	vld [tilespmem:s30+$0xFFFFFF90];
	_ =	sdelay $0x6  }
0xb7: {  	v0 =	vld.idx.msk [tilespmem:v0+s12+$0x0], $0xffff  }
0xb8: {  	v2 =	vld.idx.msk [tilespmem:v1+s13+$0x0], $0xffff;
	_ =	sdelay $0x4  }
0xb9: {  	s0 =	sshra.s32 s29, $0x2;
	v0 =	vadd.f32 v2, v0  }
0xba: {  	[tilespmem:s0+$0x6300] =	vst v1  }
0xbb: {  	[tilespmem:s0+$0x8A80] =	vst v0  }
0xbc: {  	v0 =	vld [tilespmem:s30+$0xFFFFFF20]  }
0xbd: {  	v1 =	vld [tilespmem:s30+$0xFFFFFFA0];
	_ =	sdelay $0x6  }
0xbe: {  	v0 =	vld.idx.msk [tilespmem:v0+s12+$0x0], $0xffff  }
0xbf: {  	v57 =	vld.idx.msk [tilespmem:v1+s13+$0x0], $0xffff;
	_ =	sdelay $0x4  }
0xc0: {  	v0 =	vadd.f32 v57, v0  }
0xc1: {  	[tilespmem:s0+$0x6310] =	vst v1  }
0xc2: {  	[tilespmem:s0+$0x8A90] =	vst v0  }
0xc3: {  	v0 =	vld [tilespmem:s30+$0xFFFFFF30]  }
0xc4: {  	v1 =	vld [tilespmem:s30+$0xFFFFFFB0];
	_ =	sdelay $0x6  }
0xc5: {  	v0 =	vld.idx.msk [tilespmem:v0+s12+$0x0], $0xffff  }
0xc6: {  	v58 =	vld.idx.msk [tilespmem:v1+s13+$0x0], $0xffff;
	_ =	sdelay $0x4  }
0xc7: {  	v0 =	vadd.f32 v58, v0  }
0xc8: {  	[tilespmem:s0+$0x6320] =	vst v1  }
0xc9: {  	[tilespmem:s0+$0x8AA0] =	vst v0  }
0xca: {  	v0 =	vld [tilespmem:s30+$0xFFFFFF40]  }
0xcb: {  	v1 =	vld [tilespmem:s30+$0xFFFFFFC0];
	_ =	sdelay $0x6  }
0xcc: {  	v0 =	vld.idx.msk [tilespmem:v0+s12+$0x0], $0xffff  }
0xcd: {  	v59 =	vld.idx.msk [tilespmem:v1+s13+$0x0], $0xffff;
	_ =	sdelay $0x4  }
0xce: {  	v0 =	vadd.f32 v59, v0  }
0xcf: {  	[tilespmem:s0+$0x6330] =	vst v1  }
0xd0: {  	[tilespmem:s0+$0x8AB0] =	vst v0  }
0xd1: {  	v0 =	vld [tilespmem:s30+$0xFFFFFF50]  }
0xd2: {  	v1 =	vld [tilespmem:s30+$0xFFFFFFD0];
	_ =	sdelay $0x6  }
0xd3: {  	v0 =	vld.idx.msk [tilespmem:v0+s12+$0x0], $0xffff  }
0xd4: {  	v60 =	vld.idx.msk [tilespmem:v1+s13+$0x0], $0xffff;
	_ =	sdelay $0x4  }
0xd5: {  	v0 =	vadd.f32 v60, v0  }
0xd6: {  	[tilespmem:s0+$0x6340] =	vst v1  }
0xd7: {  	[tilespmem:s0+$0x8AC0] =	vst v0  }
0xd8: {  	v0 =	vld [tilespmem:s30+$0xFFFFFF60]  }
0xd9: {  	v1 =	vld [tilespmem:s30+$0xFFFFFFE0];
	_ =	sdelay $0x6  }
0xda: {  	v0 =	vld.idx.msk [tilespmem:v0+s12+$0x0], $0xffff  }
0xdb: {  	v61 =	vld.idx.msk [tilespmem:v1+s13+$0x0], $0xffff;
	_ =	sdelay $0x4  }
0xdc: {  	v0 =	vadd.f32 v61, v0  }
0xdd: {  	[tilespmem:s0+$0x6350] =	vst v1  }
0xde: {  	[tilespmem:s0+$0x8AD0] =	vst v0  }
0xdf: {  	v0 =	vld [tilespmem:s30+$0xFFFFFF70]  }
0xe0: {  	v1 =	vld [tilespmem:s30+$0xFFFFFFF0];
	_ =	sdelay $0x6  }
0xe1: {  	v0 =	vld.idx.msk [tilespmem:v0+s12+$0x0], $0xffff  }
0xe2: {  	v62 =	vld.idx.msk [tilespmem:v1+s13+$0x0], $0xffff;
	_ =	sdelay $0x4  }
0xe3: {  	v0 =	vadd.f32 v62, v0  }
0xe4: {  	[tilespmem:s0+$0x6360] =	vst v1  }
0xe5: {  	[tilespmem:s0+$0x8AE0] =	vst v0  }
0xe6: {  	v0 =	vld [tilespmem:s30+$0xFFFFFF80]  }
0xe7: {  	v1 =	vld [tilespmem:s30+$0x0];
	_ =	sdelay $0x6  }
0xe8: {  	v0 =	vld.idx.msk [tilespmem:v0+s12+$0x0], $0xffff  }
0xe9: {  	v63 =	vld.idx.msk [tilespmem:v1+s13+$0x0], $0xffff;
	_ =	sdelay $0x1  }
0xea: {  	p3 =	sne.s32 s29, $0x2600  }
.Ltmp2:
0xeb: {  	_ = 	snop;
	(pc) =	sbr.rel @p3 .LBB2_6-.Ltmp2, $4  }
0xec: {  	_ = 	snop  }
0xed: {  	v0 =	vadd.f32 v63, v0  }
0xee: {  	[tilespmem:s0+$0x6370] =	vst v1  }
0xef: {  	s29 =	sadd.s32 $0x200, s29;
	s30 =	sadd.s32 $0x100, s30;
	[tilespmem:s0+$0x8AF0] =	vst v0  }
0xf0: {  	[spmem:s1] =	stream.indirect.scatter.add.f32 [tilespmem:s22], [sflag:$0x2], $0x1, s21, s16, $0xb8;
	[tilespmem:$0xEF78] =	vst v63  }
0xf1: {  	s29 =	simm.s32 $0x0;
	s30 =	simm.s32 $0x3CF0  }
.LBB2_8:
0xf2: {  	v0 =	vld [tilespmem:s30+$0xFFFFFF10]  }
0xf3: {  	v1 =	vld [tilespmem:s30+$0xFFFFFF90];
	_ =	sdelay $0x6  }
0xf4: {  	v0 =	vld.idx.msk [tilespmem:v0+s12+$0x0], $0xffff  }
0xf5: {  	v2 =	vld.idx.msk [tilespmem:v1+s13+$0x0], $0xffff;
	_ =	sdelay $0x4  }
0xf6: {  	s0 =	sshra.s32 s29, $0x2;
	v0 =	vadd.f32 v2, v0  }
0xf7: {  	[tilespmem:s0+$0x6D00] =	vst v1  }
0xf8: {  	[tilespmem:s0+$0x9480] =	vst v0  }
0xf9: {  	v0 =	vld [tilespmem:s30+$0xFFFFFF20]  }
0xfa: {  	v1 =	vld [tilespmem:s30+$0xFFFFFFA0];
	_ =	sdelay $0x6  }
0xfb: {  	v0 =	vld.idx.msk [tilespmem:v0+s12+$0x0], $0xffff  }
0xfc: {  	v57 =	vld.idx.msk [tilespmem:v1+s13+$0x0], $0xffff;
	_ =	sdelay $0x4  }
0xfd: {  	v0 =	vadd.f32 v57, v0  }
0xfe: {  	[tilespmem:s0+$0x6D10] =	vst v1  }
0xff: {  	[tilespmem:s0+$0x9490] =	vst v0  }
0x100: {  	v0 =	vld [tilespmem:s30+$0xFFFFFF30]  }
0x101: {  	v1 =	vld [tilespmem:s30+$0xFFFFFFB0];
	_ =	sdelay $0x6  }
0x102: {  	v0 =	vld.idx.msk [tilespmem:v0+s12+$0x0], $0xffff  }
0x103: {  	v58 =	vld.idx.msk [tilespmem:v1+s13+$0x0], $0xffff;
	_ =	sdelay $0x4  }
0x104: {  	v0 =	vadd.f32 v58, v0  }
0x105: {  	[tilespmem:s0+$0x6D20] =	vst v1  }
0x106: {  	[tilespmem:s0+$0x94A0] =	vst v0  }
0x107: {  	v0 =	vld [tilespmem:s30+$0xFFFFFF40]  }
0x108: {  	v1 =	vld [tilespmem:s30+$0xFFFFFFC0];
	_ =	sdelay $0x6  }
0x109: {  	v0 =	vld.idx.msk [tilespmem:v0+s12+$0x0], $0xffff  }
0x10a: {  	v59 =	vld.idx.msk [tilespmem:v1+s13+$0x0], $0xffff;
	_ =	sdelay $0x4  }
0x10b: {  	v0 =	vadd.f32 v59, v0  }
0x10c: {  	[tilespmem:s0+$0x6D30] =	vst v1  }
0x10d: {  	[tilespmem:s0+$0x94B0] =	vst v0  }
0x10e: {  	v0 =	vld [tilespmem:s30+$0xFFFFFF50]  }
0x10f: {  	v1 =	vld [tilespmem:s30+$0xFFFFFFD0];
	_ =	sdelay $0x6  }
0x110: {  	v0 =	vld.idx.msk [tilespmem:v0+s12+$0x0], $0xffff  }
0x111: {  	v60 =	vld.idx.msk [tilespmem:v1+s13+$0x0], $0xffff;
	_ =	sdelay $0x4  }
0x112: {  	v0 =	vadd.f32 v60, v0  }
0x113: {  	[tilespmem:s0+$0x6D40] =	vst v1  }
0x114: {  	[tilespmem:s0+$0x94C0] =	vst v0  }
0x115: {  	v0 =	vld [tilespmem:s30+$0xFFFFFF60]  }
0x116: {  	v1 =	vld [tilespmem:s30+$0xFFFFFFE0];
	_ =	sdelay $0x6  }
0x117: {  	v0 =	vld.idx.msk [tilespmem:v0+s12+$0x0], $0xffff  }
0x118: {  	v61 =	vld.idx.msk [tilespmem:v1+s13+$0x0], $0xffff;
	_ =	sdelay $0x4  }
0x119: {  	v0 =	vadd.f32 v61, v0  }
0x11a: {  	[tilespmem:s0+$0x6D50] =	vst v1  }
0x11b: {  	[tilespmem:s0+$0x94D0] =	vst v0  }
0x11c: {  	v0 =	vld [tilespmem:s30+$0xFFFFFF70]  }
0x11d: {  	v1 =	vld [tilespmem:s30+$0xFFFFFFF0];
	_ =	sdelay $0x6  }
0x11e: {  	v0 =	vld.idx.msk [tilespmem:v0+s12+$0x0], $0xffff  }
0x11f: {  	v62 =	vld.idx.msk [tilespmem:v1+s13+$0x0], $0xffff;
	_ =	sdelay $0x4  }
0x120: {  	v0 =	vadd.f32 v62, v0  }
0x121: {  	[tilespmem:s0+$0x6D60] =	vst v1  }
0x122: {  	[tilespmem:s0+$0x94E0] =	vst v0  }
0x123: {  	v0 =	vld [tilespmem:s30+$0xFFFFFF80]  }
0x124: {  	v1 =	vld [tilespmem:s30+$0x0];
	_ =	sdelay $0x6  }
0x125: {  	v0 =	vld.idx.msk [tilespmem:v0+s12+$0x0], $0xffff  }
0x126: {  	v63 =	vld.idx.msk [tilespmem:v1+s13+$0x0], $0xffff;
	_ =	sdelay $0x1  }
0x127: {  	p3 =	sne.s32 s29, $0x2400  }
.Ltmp3:
0x128: {  	_ = 	snop;
	(pc) =	sbr.rel @p3 .LBB2_8-.Ltmp3, $4  }
0x129: {  	_ = 	snop  }
0x12a: {  	v0 =	vadd.f32 v63, v0  }
0x12b: {  	[tilespmem:s0+$0x6D70] =	vst v1  }
0x12c: {  	s29 =	sadd.s32 $0x200, s29;
	s30 =	sadd.s32 $0x100, s30;
	[tilespmem:s0+$0x94F0] =	vst v0  }
0x12d: {  	v0 =	vimm.f32 @!p2 $0.0e+00  }
0x12e: {  	[tilespmem:$0x9D80] =	vst @!p2 v0  }
0x12f: {  	[tilespmem:$0x9D90] =	vst @!p2 v0  }
0x130: {  	[tilespmem:$0x9DA0] =	vst @!p2 v0  }
0x131: {  	[tilespmem:$0x9DB0] =	vst @!p2 v0  }
0x132: {  	[tilespmem:$0x9DC0] =	vst @!p2 v0  }
0x133: {  	[tilespmem:$0x9DD0] =	vst @!p2 v0  }
0x134: {  	[tilespmem:$0x9DE0] =	vst @!p2 v0  }
0x135: {  	[tilespmem:$0x9DF0] =	vst @!p2 v0  }
0x136: {  	[spmem:s1] =	stream.indirect.scatter.add.f32 [tilespmem:s25], [sflag:$0x2], $0x1, s24, s23, $0xb8;
	[tilespmem:$0xEF78] =	vst v63  }
0x137: {  	_ =	swait.ge [sflag:s26], $0xA00  }
0x138: {  	[sflag:s26] =	ssyncset.done $0x0  }
0x139: {  	[sflag:s26] =	ssyncadd.s32 $0xFFFFF600  }
0x13a: {  	_ =	swait.ge [sflag:s26], $0xA00  }
0x13b: {  	[sflag:s26] =	ssyncset.done $0x0  }
0x13c: {  	[sflag:s26] =	ssyncadd.s32 $0xFFFFF600  }
0x13d: {  	_ =	swait.ge [sflag:s26], $0xA00  }
0x13e: {  	[sflag:s26] =	ssyncset.done $0x0  }
0x13f: {  	[sflag:s26] =	ssyncadd.s32 $0xFFFFF600  }
0x140: {  	_ =	swait.ge [sflag:s26], $0x980  }
0x141: {  	s0 =	simm.s32 @!p0 $0x1;
	s29 =	simm.s32 @!p0 $0x20;
	[sflag:s26] =	ssyncset.done $0x0  }
0x142: {  	s30 =	simm.s32 @!p0 $0x10;
	s28 =	sadd.s32 $0x1, s28;
	[sflag:s26] =	ssyncadd.s32 $0xFFFFF680  }
0x143: {  	s31 =	simm.s32 @!p0 $0x1C03;
	p3 =	sne.s32 s28, s9;
	[bflag:$0x0] =	sbarrier.arrive $0xFFFF  }
0x144: {  	[hbm:s8@s29], [sflag:s31] =	dma.strided @!p0 [spmem:s14@s30], $0x4F0, s0, $0x10   }
.Ltmp4:
0x145: {  	_ = 	snop;
	(pc) =	sbr.rel @p3 .LBB2_1-.Ltmp4, $4  }
0x146: {  	s0 =	simm.s32 @!p0 $0x3  }
0x147: {  	_ =	swait.ge @!p0 [sflag:s0], $0x4F0  }
0x148: {  	[sflag:s0] =	ssyncset.done @!p0 $0x0  }
0x149: {  	[sflag:s0] =	ssyncadd.s32 @!p0 $0xFFFFFB10  }
0x14a: {  	_ =	sfence.sel $0x180000  }
0x14b: {  	[bflag:$0x0] =	sbarrier.arrive $0xFFFF  }
0x14c: {  	_ =	strace $0x90000047  }
0x14d: {  	[bflag:$0x2] =	sbarrier.arrive $0xFFFF  }
0x14e: {  	s0 =	rddreg [dreg:$0x3]  }
0x14f: {  	s0 =	sadd.s32 @!p0 $0x100000, s0  }
0x150: {  	[sflag:s0] =	ssyncadd.tile.s32 @!p0 $0x1;
	_ =	shalt  }
.Lfunc_end2:
_tile_overlayer_lowered:
.L_overlay_start_2:
0x151: {  	(tag) =	ssettag $0x2  }
0x152: {  	s0 =	rddreg [dreg:$0x0];
	s2 =	stileid.u32  }
0x153: {  	s1 =	rddreg [dreg:$0x1];
	p0 =	sne.s32 s2, $0x0  }
0x154: {  	s3 =	rddreg [dreg:$0x2];
	[bflag:$0x3] =	sbarrier.arrive $0xFFFF;
	s2 =	simm.s32 @!p0 $0x1C03  }
0x155: {  	[timem:s3], [sflag:s2] =	dma.local @!p0 [hbm:s0], s1  }
0x156: {  	s0 =	simm.s32 @!p0 $0x3  }
0x157: {  	_ =	swait.ge @!p0 [sflag:s0], s1  }
0x158: {  	s1 =	ssub.s32 @!p0 $0x0, s1;
	[sflag:s0] =	ssyncset.done @!p0 $0x0  }
0x159: {  	[sflag:s0] =	ssyncadd.s32 @!p0 s1  }
0x15a: {  	[bflag:$0x3] =	sbarrier.arrive $0xFFFF  }
0x15b: {  	_ =	shalt  }

</sc_bundles>
